<compile_context>
chip_gen: v7x
topology: tpu7x:2x2x1
jax: 0.10.2.dev20260603
libtpu: 0.0.44.dev20260713+nightly
codegen_flags: <defaults>
</compile_context>

<pallas_src>
import functools

import jax
import jax.numpy as jnp
from jax import lax
from jax.experimental import pallas as pl
from jax.experimental.pallas import tpu as pltpu
from jax.experimental.pallas import tpu_sc as plsc

_NC = 2
_NS = 16
_K = 40
_NB = 6


def _dense_body(x_ref, w0_ref, b0_ref, w1_ref, b1_ref, msg_ref):
    x = x_ref[...]
    h = jnp.dot(x, w0_ref[...], preferred_element_type=jnp.float32) + b0_ref[...]
    msg_ref[...] = jnp.dot(h, w1_ref[...], preferred_element_type=jnp.float32) + b1_ref[...]


def _dense_call(X, W0, b0, W1, b1, block_n):
    n, d = X.shape
    grid = n // block_n
    return pl.pallas_call(
        _dense_body,
        grid=(grid,),
        in_specs=[
            pl.BlockSpec((block_n, d), lambda i: (i, 0)),
            pl.BlockSpec(W0.shape, lambda i: (0, 0)),
            pl.BlockSpec(b0.shape, lambda i: (0, 0)),
            pl.BlockSpec(W1.shape, lambda i: (0, 0)),
            pl.BlockSpec(b1.shape, lambda i: (0, 0)),
        ],
        out_specs=pl.BlockSpec((block_n, d), lambda i: (i, 0)),
        out_shape=jax.ShapeDtypeStruct((n, d), jnp.float32),
    )(X, W0, b0, W1, b1)


def _sc_body(n, e, d, nchunk, xmsg_hbm, ra1_hbm, rb1_hbm,
             zeros_hbm, out_hbm, acc, gidx, sidx, rows, gsems, ssems):
    epw = nchunk * _K
    rpt = (n // _NS) // 8 * 8
    rem = n - _NS * rpt
    c = lax.axis_index("c")
    s = lax.axis_index("s")
    w = c * _NS + s
    r0 = s * rpt
    sets = tuple((rows[p], gsems[p], ssems[p]) for p in range(_NB))

    def run_both():
        def refs(j):
            if j < nchunk:
                return gidx, sidx, j
            return sidx, gidx, j - nchunk

        def gather(gi, i, p):
            row, gsem, _ = sets[p]
            pltpu.async_copy(xmsg_hbm.at[gi.at[pl.ds(i * _K, _K)]], row,
                             gsem)

        def wait_gather(gi, i, p):
            row, gsem, _ = sets[p]
            pltpu.make_async_copy(xmsg_hbm.at[gi.at[pl.ds(i * _K, _K)]],
                                  row, gsem).wait()

        def scatter(si, i, p):
            row, _, ssem = sets[p]
            pltpu.async_copy(row, acc.at[si.at[pl.ds(i * _K, _K)]], ssem,
                             add=True)

        def wait_scatter(si, i, p):
            row, _, ssem = sets[p]
            pltpu.make_async_copy(row, acc.at[si.at[pl.ds(i * _K, _K)]],
                                  ssem).wait()

        def step_static(j, prefetch=True, wait_prev=True):
            gi, si, i = refs(j)
            wait_gather(gi, i, j % _NB)
            scatter(si, i, j % _NB)
            if prefetch and j + _NB - 1 <= 2 * nchunk - 1:
                pm1 = (j + _NB - 1) % _NB
                if wait_prev:
                    gi1, si1, i1 = refs(j - 1)
                    wait_scatter(si1, i1, pm1)
                gi2, si2, i2 = refs(j + _NB - 1)
                gather(gi2, i2, pm1)

        def block_loop(lo, hi, gi, si, off):
            iters = (hi - lo + 1) // _NB

            def block(t, carry):
                j0 = lo + _NB * t
                for k in range(_NB):
                    p = (lo + k) % _NB
                    i = j0 + k - off
                    wait_gather(gi, i, p)
                    scatter(si, i, p)
                    wait_scatter(si, i - 1, (p + _NB - 1) % _NB)
                    gather(gi, i + _NB - 1, (p + _NB - 1) % _NB)
                return carry

            lax.fori_loop(0, iters, block, 0)
            return lo + iters * _NB

        for j in range(_NB - 1):
            gi, si, i = refs(j)
            gather(gi, i, j % _NB)
        for j in range(_NB - 1):
            step_static(j, wait_prev=(j >= 1))
        nxt = block_loop(_NB - 1, nchunk - _NB, gidx, sidx, 0)
        for j in range(nxt, nchunk + _NB - 1):
            step_static(j)
        nxt = block_loop(nchunk + _NB - 1, 2 * nchunk - _NB, sidx, gidx,
                         nchunk)
        for j in range(nxt, 2 * nchunk - _NB + 1):
            step_static(j)
        for j in range(2 * nchunk - _NB + 1, 2 * nchunk):
            step_static(j, prefetch=False)
        for j in range(2 * nchunk - _NB, 2 * nchunk):
            gi, si, i = refs(j)
            wait_scatter(si, i, j % _NB)

    psem = gsems[0]
    cz = pltpu.async_copy(zeros_hbm.at[pl.ds(r0, rpt)],
                          acc.at[pl.ds(r0, rpt)], psem)
    ca = pltpu.async_copy(ra1_hbm.at[pl.ds(w * epw, epw)], gidx, psem)
    cb = pltpu.async_copy(rb1_hbm.at[pl.ds(w * epw, epw)], sidx, psem)
    if rem:
        @pl.when(s == _NS - 1)
        def _zero_rem():
            pltpu.sync_copy(zeros_hbm.at[pl.ds(_NS * rpt, rem)],
                            acc.at[pl.ds(_NS * rpt, rem)])
    cz.wait()
    ca.wait()
    cb.wait()
    plsc.subcore_barrier()

    run_both()

    plsc.subcore_barrier()
    pltpu.sync_copy(acc.at[pl.ds(r0, rpt)], out_hbm.at[pl.ds(c * n + r0, rpt)])
    if rem:
        @pl.when(s == _NS - 1)
        def _out_rem():
            pltpu.sync_copy(acc.at[pl.ds(_NS * rpt, rem)],
                            out_hbm.at[pl.ds(c * n + _NS * rpt, rem)])


def _sc_call(msg, ref_a, ref_b, zeros):
    n, d = msg.shape
    e = ref_a.shape[0]
    nw = _NC * _NS
    nchunk = e // (nw * _K)
    epw = nchunk * _K
    mesh = plsc.VectorSubcoreMesh(core_axis_name="c", subcore_axis_name="s")
    run = pl.kernel(
        functools.partial(_sc_body, n, e, d, nchunk),
        out_type=jax.ShapeDtypeStruct((_NC * n, d), jnp.float32),
        mesh=mesh,
        scratch_types=[
            pltpu.VMEM_SHARED((n, d), jnp.float32),
            pltpu.VMEM((epw,), jnp.int32),
            pltpu.VMEM((epw,), jnp.int32),
            [pltpu.VMEM((_K, d), jnp.float32) for _ in range(_NB)],
            [pltpu.SemaphoreType.DMA for _ in range(_NB)],
            [pltpu.SemaphoreType.DMA for _ in range(_NB)],
        ],
    )
    return run(msg, ref_a, ref_b, zeros)


def _gru_body(a0_ref, a1_ref, x_ref, gk_ref, grk_ref, gb0_ref, gb1_ref,
              out_ref):
    u = x_ref.shape[1]
    agg = a0_ref[...] + a1_ref[...]
    x = x_ref[...]
    xw = jnp.dot(agg, gk_ref[...], preferred_element_type=jnp.float32) + gb0_ref[...]
    hw = jnp.dot(x, grk_ref[...], preferred_element_type=jnp.float32) + gb1_ref[...]
    x_z, x_r, x_h = xw[:, :u], xw[:, u:2 * u], xw[:, 2 * u:]
    h_z, h_r, h_h = hw[:, :u], hw[:, u:2 * u], hw[:, 2 * u:]
    z = jax.nn.sigmoid(x_z + h_z)
    r = jax.nn.sigmoid(x_r + h_r)
    hh = jnp.tanh(x_h + r * h_h)
    out_ref[...] = z * x + (1.0 - z) * hh


def _gru_call(partials, X, gk, grk, gb0, gb1, block_n):
    n, d = X.shape
    goff = n // block_n
    return pl.pallas_call(
        _gru_body,
        grid=(goff,),
        in_specs=[
            pl.BlockSpec((block_n, d), lambda i: (i, 0)),
            pl.BlockSpec((block_n, d), lambda i, goff=goff: (goff + i, 0)),
            pl.BlockSpec((block_n, d), lambda i: (i, 0)),
            pl.BlockSpec(gk.shape, lambda i: (0, 0)),
            pl.BlockSpec(grk.shape, lambda i: (0, 0)),
            pl.BlockSpec(gb0.shape, lambda i: (0, 0)),
            pl.BlockSpec(gb1.shape, lambda i: (0, 0)),
        ],
        out_specs=pl.BlockSpec((block_n, d), lambda i: (i, 0)),
        out_shape=jax.ShapeDtypeStruct((n, d), jnp.float32),
    )(partials, partials, X, gk, grk, gb0, gb1)


def kernel(X, ref_a, ref_b, W0, b0, W1, b1, gru_kernel, gru_recurrent_kernel,
           gru_bias):
    n, d = X.shape
    u = W0.shape[1]
    block_n = 2000
    msg = _dense_call(X, W0, b0.reshape(1, u), W1, b1.reshape(1, u), block_n)
    zeros = jnp.zeros((n, d), jnp.float32)
    partials = _sc_call(msg, ref_a, ref_b, zeros)
    return _gru_call(partials, X, gru_kernel, gru_recurrent_kernel,
                     gru_bias[0].reshape(1, -1), gru_bias[1].reshape(1, -1),
                     block_n)

# --- scband reference (transcript-rebuilt; emitter-appended) ---
"""Pipeline reference for scband-ggnnlayer-80221399155535 (READ-ONLY COPY).

The authoritative reference and input builder live on the scoring server;
editing this copy changes nothing except your own understanding.
"""

import jax, jax.numpy as jnp
import numpy as np

N = 10000
E = 320000
D = 128
U = 128


def _glorot(key, shape):
    lim = np.sqrt(6.0 / (shape[0] + shape[1]))
    return jax.random.uniform(key, shape, jnp.float32, -lim, lim)


def setup_inputs(seed: int = 0) -> dict:
    key = jax.random.key(seed)
    ks = jax.random.split(key, 10)
    X = jax.random.normal(ks[0], (N, D), dtype=jnp.float32)
    ref_a = jax.random.randint(ks[1], (E,), 0, N, dtype=jnp.int32)
    ref_b = jax.random.randint(ks[2], (E,), 0, N, dtype=jnp.int32)
    # msg_net: two Dense(units) layers, linear inner activation (inner_activation=None)
    W0 = _glorot(ks[3], (D, U)); b0 = jnp.zeros((U,), jnp.float32)
    W1 = _glorot(ks[4], (U, U)); b1 = jnp.zeros((U,), jnp.float32)
    # keras GRUCell (reset_after=True): kernel (U,3U), recurrent_kernel (U,3U), bias (2,3U)
    gru_kernel = _glorot(ks[5], (U, 3 * U))
    gru_recurrent_kernel = _glorot(ks[6], (U, 3 * U))
    gru_bias = jnp.zeros((2, 3 * U), jnp.float32)
    return {"X": X, "ref_a": ref_a, "ref_b": ref_b,
            "W0": W0, "b0": b0, "W1": W1, "b1": b1,
            "gru_kernel": gru_kernel,
            "gru_recurrent_kernel": gru_recurrent_kernel,
            "gru_bias": gru_bias}


def reference(X, ref_a, ref_b, W0, b0, W1, b1, gru_kernel, gru_recurrent_kernel, gru_bias):
    # vert_adapt is False since d_feat == units
    # msg_net (depth=2, linear inner activation)
    X_msg = (X @ W0 + b0) @ W1 + b1
    # wl1_convolution, undirected: scatter-add messages along both edge directions
    X_agg = jnp.zeros_like(X_msg)
    X_agg = X_agg.at[ref_b].add(X_msg[ref_a])
    X_agg = X_agg.at[ref_a].add(X_msg[ref_b])
    # keras GRUCell with inputs=X_agg, state=X (reset_after=True semantics)
    u = U
    xw = X_agg @ gru_kernel + gru_bias[0]
    hw = X @ gru_recurrent_kernel + gru_bias[1]
    x_z, x_r, x_h = xw[:, :u], xw[:, u:2 * u], xw[:, 2 * u:]
    h_z, h_r, h_h = hw[:, :u], hw[:, u:2 * u], hw[:, 2 * u:]
    z = jax.nn.sigmoid(x_z + h_z)
    r = jax.nn.sigmoid(x_r + h_r)
    hh = jnp.tanh(x_h + r * h_h)
    X_out = z * X + (1.0 - z) * hh
    return X_out

if __name__ == "__main__":
    import jax
    _d = setup_inputs()
    print(jax.jit(kernel)(*tuple(_d.values())))

</pallas_src>

<mosaic_0001>
#map = affine_map<(d0, d1) -> (0, 0)>
#map1 = affine_map<(d0, d1) -> (0)>
module attributes {stable_mosaic.version = 14 : i64} {
  func.func @_sc_body(%arg0: i32, %arg1: i32, %arg2: memref<10000x128xf32, #tpu.memory_space<hbm>>, %arg3: memref<320000xi32, #tpu.memory_space<hbm>>, %arg4: memref<320000xi32, #tpu.memory_space<hbm>>, %arg5: memref<10000x128xf32, #tpu.memory_space<hbm>>, %arg6: memref<20000x128xf32, #tpu.memory_space<hbm>>, %arg7: memref<10000x128xf32, #tpu.memory_space<vmem_shared>>, %arg8: memref<10000xi32, #tpu.memory_space<vmem>>, %arg9: memref<10000xi32, #tpu.memory_space<vmem>>, %arg10: memref<40x128xf32, #tpu.memory_space<vmem>>, %arg11: memref<40x128xf32, #tpu.memory_space<vmem>>, %arg12: memref<40x128xf32, #tpu.memory_space<vmem>>, %arg13: memref<40x128xf32, #tpu.memory_space<vmem>>, %arg14: memref<40x128xf32, #tpu.memory_space<vmem>>, %arg15: memref<40x128xf32, #tpu.memory_space<vmem>>, %arg16: memref<!tpu.dma_semaphore, #tpu.memory_space<semaphore_mem>>, %arg17: memref<!tpu.dma_semaphore, #tpu.memory_space<semaphore_mem>>, %arg18: memref<!tpu.dma_semaphore, #tpu.memory_space<semaphore_mem>>, %arg19: memref<!tpu.dma_semaphore, #tpu.memory_space<semaphore_mem>>, %arg20: memref<!tpu.dma_semaphore, #tpu.memory_space<semaphore_mem>>, %arg21: memref<!tpu.dma_semaphore, #tpu.memory_space<semaphore_mem>>, %arg22: memref<!tpu.dma_semaphore, #tpu.memory_space<semaphore_mem>>, %arg23: memref<!tpu.dma_semaphore, #tpu.memory_space<semaphore_mem>>, %arg24: memref<!tpu.dma_semaphore, #tpu.memory_space<semaphore_mem>>, %arg25: memref<!tpu.dma_semaphore, #tpu.memory_space<semaphore_mem>>, %arg26: memref<!tpu.dma_semaphore, #tpu.memory_space<semaphore_mem>>, %arg27: memref<!tpu.dma_semaphore, #tpu.memory_space<semaphore_mem>>) attributes {dimension_semantics = [#tpu.dimension_semantics<core_parallel>, #tpu.dimension_semantics<subcore_parallel>], iteration_bounds = array<i64: 2, 16>, scalar_prefetch = 0 : i64, scratch_operands = 21 : i64, tpu.core_type = #tpu.core_type<sc_vector_subcore>, window_params = [{transform_indices = #map}, {transform_indices = #map1}, {transform_indices = #map1}, {transform_indices = #map}, {transform_indices = #map}]} {
    %mul3A = arith.constant 16 : i32
    %mul3A_0 = arith.muli %arg0, %mul3A : i32
    %add3A = arith.addi %mul3A_0, %arg1 : i32
    %mul3A_1 = arith.constant 624 : i32
    %mul3A_2 = arith.muli %arg1, %mul3A_1 : i32
    %dma_start3A = arith.constant 0 : i32
    %dma_start3A_3 = tpu.memref_slice %arg7[%mul3A_2, %dma_start3A] : memref<10000x128xf32, #tpu.memory_space<vmem_shared>> -> memref<624x128xf32, #tpu.memory_space<vmem_shared>>
    %dma_start3A_4 = arith.constant 0 : i32
    %dma_start3A_5 = tpu.memref_slice %arg5[%mul3A_2, %dma_start3A_4] : memref<10000x128xf32, #tpu.memory_space<hbm>> -> memref<624x128xf32, #tpu.memory_space<hbm>>
    tpu.enqueue_dma source(%dma_start3A_5 : memref<624x128xf32, #tpu.memory_space<hbm>>) target(%dma_start3A_3 : memref<624x128xf32, #tpu.memory_space<vmem_shared>>) target_semaphore(%arg16 : memref<!tpu.dma_semaphore, #tpu.memory_space<semaphore_mem>>)
    %mul3A_6 = arith.constant 10000 : i32
    %mul3A_7 = arith.muli %add3A, %mul3A_6 : i32
    %dma_start3A_8 = tpu.memref_slice %arg3[%mul3A_7] : memref<320000xi32, #tpu.memory_space<hbm>> -> memref<10000xi32, #tpu.memory_space<hbm>>
    %dma_start3A_9 = tpu.memref_slice %arg3[%mul3A_7] : memref<320000xi32, #tpu.memory_space<hbm>> -> memref<10000xi32, #tpu.memory_space<hbm>>
    tpu.enqueue_dma source(%dma_start3A_9 : memref<10000xi32, #tpu.memory_space<hbm>>) target(%arg8 : memref<10000xi32, #tpu.memory_space<vmem>>) target_semaphore(%arg16 : memref<!tpu.dma_semaphore, #tpu.memory_space<semaphore_mem>>)
    %mul3A_10 = arith.constant 10000 : i32
    %mul3A_11 = arith.muli %add3A, %mul3A_10 : i32
    %dma_start3A_12 = tpu.memref_slice %arg4[%mul3A_11] : memref<320000xi32, #tpu.memory_space<hbm>> -> memref<10000xi32, #tpu.memory_space<hbm>>
    %dma_start3A_13 = tpu.memref_slice %arg4[%mul3A_11] : memref<320000xi32, #tpu.memory_space<hbm>> -> memref<10000xi32, #tpu.memory_space<hbm>>
    tpu.enqueue_dma source(%dma_start3A_13 : memref<10000xi32, #tpu.memory_space<hbm>>) target(%arg9 : memref<10000xi32, #tpu.memory_space<vmem>>) target_semaphore(%arg16 : memref<!tpu.dma_semaphore, #tpu.memory_space<semaphore_mem>>)
    %eq3A = arith.constant 15 : i32
    %eq3A_14 = arith.cmpi eq, %arg1, %eq3A : i32
    %convert_element_type3A = arith.extui %eq3A_14 : i1 to i32
    %cond3A = arith.constant 0 : i32
    %cond3A_15 = arith.cmpi ne, %convert_element_type3A, %cond3A : i32
    scf.if %cond3A_15 {
      "tpu.region"() ({
        %run_scoped3A = tpu.sem_alloc : memref<!tpu.dma_semaphore, #tpu.memory_space<semaphore_mem>>
        %dma_start3A_443 = arith.constant 9984 : i32
        %dma_start3A_444 = arith.constant 0 : i32
        %dma_start3A_445 = tpu.memref_slice %arg7[%dma_start3A_443, %dma_start3A_444] : memref<10000x128xf32, #tpu.memory_space<vmem_shared>> -> memref<16x128xf32, #tpu.memory_space<vmem_shared>>
        %dma_start3A_446 = arith.constant 9984 : i32
        %dma_start3A_447 = arith.constant 0 : i32
        %dma_start3A_448 = tpu.memref_slice %arg5[%dma_start3A_446, %dma_start3A_447] : memref<10000x128xf32, #tpu.memory_space<hbm>> -> memref<16x128xf32, #tpu.memory_space<hbm>>
        tpu.enqueue_dma source(%dma_start3A_448 : memref<16x128xf32, #tpu.memory_space<hbm>>) target(%dma_start3A_445 : memref<16x128xf32, #tpu.memory_space<vmem_shared>>) target_semaphore(%run_scoped3A : memref<!tpu.dma_semaphore, #tpu.memory_space<semaphore_mem>>)
        %dma_wait3A_449 = arith.constant 9984 : i32
        %dma_wait3A_450 = arith.constant 0 : i32
        %dma_wait3A_451 = tpu.memref_slice %arg7[%dma_wait3A_449, %dma_wait3A_450] : memref<10000x128xf32, #tpu.memory_space<vmem_shared>> -> memref<16x128xf32, #tpu.memory_space<vmem_shared>>
        %dma_wait3A_452 = arith.constant 9984 : i32
        %dma_wait3A_453 = arith.constant 0 : i32
        %dma_wait3A_454 = tpu.memref_slice %arg5[%dma_wait3A_452, %dma_wait3A_453] : memref<10000x128xf32, #tpu.memory_space<hbm>> -> memref<16x128xf32, #tpu.memory_space<hbm>>
        tpu.wait_dma2 semaphore(%run_scoped3A : memref<!tpu.dma_semaphore, #tpu.memory_space<semaphore_mem>>) src(%dma_wait3A_454 : memref<16x128xf32, #tpu.memory_space<hbm>>) dst(%dma_wait3A_451 : memref<16x128xf32, #tpu.memory_space<vmem_shared>>)
        tpu.yield
      }) : () -> ()
    } else {
    }
    %dma_wait3A = arith.constant 0 : i32
    %dma_wait3A_16 = tpu.memref_slice %arg7[%mul3A_2, %dma_wait3A] : memref<10000x128xf32, #tpu.memory_space<vmem_shared>> -> memref<624x128xf32, #tpu.memory_space<vmem_shared>>
    %dma_wait3A_17 = arith.constant 0 : i32
    %dma_wait3A_18 = tpu.memref_slice %arg5[%mul3A_2, %dma_wait3A_17] : memref<10000x128xf32, #tpu.memory_space<hbm>> -> memref<624x128xf32, #tpu.memory_space<hbm>>
    tpu.wait_dma2 semaphore(%arg16 : memref<!tpu.dma_semaphore, #tpu.memory_space<semaphore_mem>>) src(%dma_wait3A_18 : memref<624x128xf32, #tpu.memory_space<hbm>>) dst(%dma_wait3A_16 : memref<624x128xf32, #tpu.memory_space<vmem_shared>>)
    %dma_wait3A_19 = tpu.memref_slice %arg3[%mul3A_7] : memref<320000xi32, #tpu.memory_space<hbm>> -> memref<10000xi32, #tpu.memory_space<hbm>>
    %dma_wait3A_20 = tpu.memref_slice %arg3[%mul3A_7] : memref<320000xi32, #tpu.memory_space<hbm>> -> memref<10000xi32, #tpu.memory_space<hbm>>
    tpu.wait_dma2 semaphore(%arg16 : memref<!tpu.dma_semaphore, #tpu.memory_space<semaphore_mem>>) src(%dma_wait3A_20 : memref<10000xi32, #tpu.memory_space<hbm>>) dst(%arg8 : memref<10000xi32, #tpu.memory_space<vmem>>)
    %dma_wait3A_21 = tpu.memref_slice %arg4[%mul3A_11] : memref<320000xi32, #tpu.memory_space<hbm>> -> memref<10000xi32, #tpu.memory_space<hbm>>
    %dma_wait3A_22 = tpu.memref_slice %arg4[%mul3A_11] : memref<320000xi32, #tpu.memory_space<hbm>> -> memref<10000xi32, #tpu.memory_space<hbm>>
    tpu.wait_dma2 semaphore(%arg16 : memref<!tpu.dma_semaphore, #tpu.memory_space<semaphore_mem>>) src(%dma_wait3A_22 : memref<10000xi32, #tpu.memory_space<hbm>>) dst(%arg9 : memref<10000xi32, #tpu.memory_space<vmem>>)
    %barrier3A = arith.constant 0 : index
    tpu.barrier barrier_id(%barrier3A)
    %dma_start3A_23 = arith.constant 0 : i32
    %dma_start3A_24 = tpu.memref_slice %arg8[%dma_start3A_23] : memref<10000xi32, #tpu.memory_space<vmem>> -> memref<40xi32, #tpu.memory_space<vmem>>
    %dma_start3A_25 = arith.constant 0 : i32
    %dma_start3A_26 = arith.constant 0 : i32
    %dma_start3A_27 = tpu.memref_slice %arg2[%dma_start3A_25, %dma_start3A_26] : memref<10000x128xf32, #tpu.memory_space<hbm>> -> memref<10000x128xf32, #tpu.memory_space<hbm>>
    tpu.enqueue_indirect_dma source(%dma_start3A_27 : memref<10000x128xf32, #tpu.memory_space<hbm>>) target(%arg10 : memref<40x128xf32, #tpu.memory_space<vmem>>) offsets(%dma_start3A_24 : memref<40xi32, #tpu.memory_space<vmem>>) semaphore(%arg16 : memref<!tpu.dma_semaphore, #tpu.memory_space<semaphore_mem>>)
    %dma_start3A_28 = arith.constant 40 : i32
    %dma_start3A_29 = tpu.memref_slice %arg8[%dma_start3A_28] : memref<10000xi32, #tpu.memory_space<vmem>> -> memref<40xi32, #tpu.memory_space<vmem>>
    %dma_start3A_30 = arith.constant 0 : i32
    %dma_start3A_31 = arith.constant 0 : i32
    %dma_start3A_32 = tpu.memref_slice %arg2[%dma_start3A_30, %dma_start3A_31] : memref<10000x128xf32, #tpu.memory_space<hbm>> -> memref<10000x128xf32, #tpu.memory_space<hbm>>
    tpu.enqueue_indirect_dma source(%dma_start3A_32 : memref<10000x128xf32, #tpu.memory_space<hbm>>) target(%arg11 : memref<40x128xf32, #tpu.memory_space<vmem>>) offsets(%dma_start3A_29 : memref<40xi32, #tpu.memory_space<vmem>>) semaphore(%arg17 : memref<!tpu.dma_semaphore, #tpu.memory_space<semaphore_mem>>)
    %dma_start3A_33 = arith.constant 80 : i32
    %dma_start3A_34 = tpu.memref_slice %arg8[%dma_start3A_33] : memref<10000xi32, #tpu.memory_space<vmem>> -> memref<40xi32, #tpu.memory_space<vmem>>
    %dma_start3A_35 = arith.constant 0 : i32
    %dma_start3A_36 = arith.constant 0 : i32
    %dma_start3A_37 = tpu.memref_slice %arg2[%dma_start3A_35, %dma_start3A_36] : memref<10000x128xf32, #tpu.memory_space<hbm>> -> memref<10000x128xf32, #tpu.memory_space<hbm>>
    tpu.enqueue_indirect_dma source(%dma_start3A_37 : memref<10000x128xf32, #tpu.memory_space<hbm>>) target(%arg12 : memref<40x128xf32, #tpu.memory_space<vmem>>) offsets(%dma_start3A_34 : memref<40xi32, #tpu.memory_space<vmem>>) semaphore(%arg18 : memref<!tpu.dma_semaphore, #tpu.memory_space<semaphore_mem>>)
    %dma_start3A_38 = arith.constant 120 : i32
    %dma_start3A_39 = tpu.memref_slice %arg8[%dma_start3A_38] : memref<10000xi32, #tpu.memory_space<vmem>> -> memref<40xi32, #tpu.memory_space<vmem>>
    %dma_start3A_40 = arith.constant 0 : i32
    %dma_start3A_41 = arith.constant 0 : i32
    %dma_start3A_42 = tpu.memref_slice %arg2[%dma_start3A_40, %dma_start3A_41] : memref<10000x128xf32, #tpu.memory_space<hbm>> -> memref<10000x128xf32, #tpu.memory_space<hbm>>
    tpu.enqueue_indirect_dma source(%dma_start3A_42 : memref<10000x128xf32, #tpu.memory_space<hbm>>) target(%arg13 : memref<40x128xf32, #tpu.memory_space<vmem>>) offsets(%dma_start3A_39 : memref<40xi32, #tpu.memory_space<vmem>>) semaphore(%arg19 : memref<!tpu.dma_semaphore, #tpu.memory_space<semaphore_mem>>)
    %dma_start3A_43 = arith.constant 160 : i32
    %dma_start3A_44 = tpu.memref_slice %arg8[%dma_start3A_43] : memref<10000xi32, #tpu.memory_space<vmem>> -> memref<40xi32, #tpu.memory_space<vmem>>
    %dma_start3A_45 = arith.constant 0 : i32
    %dma_start3A_46 = arith.constant 0 : i32
    %dma_start3A_47 = tpu.memref_slice %arg2[%dma_start3A_45, %dma_start3A_46] : memref<10000x128xf32, #tpu.memory_space<hbm>> -> memref<10000x128xf32, #tpu.memory_space<hbm>>
    tpu.enqueue_indirect_dma source(%dma_start3A_47 : memref<10000x128xf32, #tpu.memory_space<hbm>>) target(%arg14 : memref<40x128xf32, #tpu.memory_space<vmem>>) offsets(%dma_start3A_44 : memref<40xi32, #tpu.memory_space<vmem>>) semaphore(%arg20 : memref<!tpu.dma_semaphore, #tpu.memory_space<semaphore_mem>>)
    %dma_wait3A_48 = arith.constant 0 : i32
    %dma_wait3A_49 = tpu.memref_slice %arg8[%dma_wait3A_48] : memref<10000xi32, #tpu.memory_space<vmem>> -> memref<40xi32, #tpu.memory_space<vmem>>
    %dma_wait3A_50 = arith.constant 0 : i32
    %dma_wait3A_51 = arith.constant 0 : i32
    %dma_wait3A_52 = tpu.memref_slice %arg2[%dma_wait3A_50, %dma_wait3A_51] : memref<10000x128xf32, #tpu.memory_space<hbm>> -> memref<10000x128xf32, #tpu.memory_space<hbm>>
    tpu.wait_indirect_dma semaphore(%arg16 : memref<!tpu.dma_semaphore, #tpu.memory_space<semaphore_mem>>) src(%dma_wait3A_52 : memref<10000x128xf32, #tpu.memory_space<hbm>>) dst(%arg10 : memref<40x128xf32, #tpu.memory_space<vmem>>)
    %dma_start3A_53 = arith.constant 0 : i32
    %dma_start3A_54 = tpu.memref_slice %arg9[%dma_start3A_53] : memref<10000xi32, #tpu.memory_space<vmem>> -> memref<40xi32, #tpu.memory_space<vmem>>
    %dma_start3A_55 = arith.constant 0 : i32
    %dma_start3A_56 = arith.constant 0 : i32
    %dma_start3A_57 = tpu.memref_slice %arg7[%dma_start3A_55, %dma_start3A_56] : memref<10000x128xf32, #tpu.memory_space<vmem_shared>> -> memref<10000x128xf32, #tpu.memory_space<vmem_shared>>
    tpu.enqueue_indirect_dma source(%arg10 : memref<40x128xf32, #tpu.memory_space<vmem>>) target(%dma_start3A_57 : memref<10000x128xf32, #tpu.memory_space<vmem_shared>>) offsets(%dma_start3A_54 : memref<40xi32, #tpu.memory_space<vmem>>) semaphore(%arg22 : memref<!tpu.dma_semaphore, #tpu.memory_space<semaphore_mem>>) {add = true}
    %dma_start3A_58 = arith.constant 200 : i32
    %dma_start3A_59 = tpu.memref_slice %arg8[%dma_start3A_58] : memref<10000xi32, #tpu.memory_space<vmem>> -> memref<40xi32, #tpu.memory_space<vmem>>
    %dma_start3A_60 = arith.constant 0 : i32
    %dma_start3A_61 = arith.constant 0 : i32
    %dma_start3A_62 = tpu.memref_slice %arg2[%dma_start3A_60, %dma_start3A_61] : memref<10000x128xf32, #tpu.memory_space<hbm>> -> memref<10000x128xf32, #tpu.memory_space<hbm>>
    tpu.enqueue_indirect_dma source(%dma_start3A_62 : memref<10000x128xf32, #tpu.memory_space<hbm>>) target(%arg15 : memref<40x128xf32, #tpu.memory_space<vmem>>) offsets(%dma_start3A_59 : memref<40xi32, #tpu.memory_space<vmem>>) semaphore(%arg21 : memref<!tpu.dma_semaphore, #tpu.memory_space<semaphore_mem>>)
    %dma_wait3A_63 = arith.constant 40 : i32
    %dma_wait3A_64 = tpu.memref_slice %arg8[%dma_wait3A_63] : memref<10000xi32, #tpu.memory_space<vmem>> -> memref<40xi32, #tpu.memory_space<vmem>>
    %dma_wait3A_65 = arith.constant 0 : i32
    %dma_wait3A_66 = arith.constant 0 : i32
    %dma_wait3A_67 = tpu.memref_slice %arg2[%dma_wait3A_65, %dma_wait3A_66] : memref<10000x128xf32, #tpu.memory_space<hbm>> -> memref<10000x128xf32, #tpu.memory_space<hbm>>
    tpu.wait_indirect_dma semaphore(%arg17 : memref<!tpu.dma_semaphore, #tpu.memory_space<semaphore_mem>>) src(%dma_wait3A_67 : memref<10000x128xf32, #tpu.memory_space<hbm>>) dst(%arg11 : memref<40x128xf32, #tpu.memory_space<vmem>>)
    %dma_start3A_68 = arith.constant 40 : i32
    %dma_start3A_69 = tpu.memref_slice %arg9[%dma_start3A_68] : memref<10000xi32, #tpu.memory_space<vmem>> -> memref<40xi32, #tpu.memory_space<vmem>>
    %dma_start3A_70 = arith.constant 0 : i32
    %dma_start3A_71 = arith.constant 0 : i32
    %dma_start3A_72 = tpu.memref_slice %arg7[%dma_start3A_70, %dma_start3A_71] : memref<10000x128xf32, #tpu.memory_space<vmem_shared>> -> memref<10000x128xf32, #tpu.memory_space<vmem_shared>>
    tpu.enqueue_indirect_dma source(%arg11 : memref<40x128xf32, #tpu.memory_space<vmem>>) target(%dma_start3A_72 : memref<10000x128xf32, #tpu.memory_space<vmem_shared>>) offsets(%dma_start3A_69 : memref<40xi32, #tpu.memory_space<vmem>>) semaphore(%arg23 : memref<!tpu.dma_semaphore, #tpu.memory_space<semaphore_mem>>) {add = true}
    %dma_wait3A_73 = arith.constant 0 : i32
    %dma_wait3A_74 = tpu.memref_slice %arg9[%dma_wait3A_73] : memref<10000xi32, #tpu.memory_space<vmem>> -> memref<40xi32, #tpu.memory_space<vmem>>
    %dma_wait3A_75 = arith.constant 0 : i32
    %dma_wait3A_76 = arith.constant 0 : i32
    %dma_wait3A_77 = tpu.memref_slice %arg7[%dma_wait3A_75, %dma_wait3A_76] : memref<10000x128xf32, #tpu.memory_space<vmem_shared>> -> memref<10000x128xf32, #tpu.memory_space<vmem_shared>>
    tpu.wait_indirect_dma semaphore(%arg22 : memref<!tpu.dma_semaphore, #tpu.memory_space<semaphore_mem>>) src(%arg10 : memref<40x128xf32, #tpu.memory_space<vmem>>) dst(%dma_wait3A_77 : memref<10000x128xf32, #tpu.memory_space<vmem_shared>>)
    %dma_start3A_78 = arith.constant 240 : i32
    %dma_start3A_79 = tpu.memref_slice %arg8[%dma_start3A_78] : memref<10000xi32, #tpu.memory_space<vmem>> -> memref<40xi32, #tpu.memory_space<vmem>>
    %dma_start3A_80 = arith.constant 0 : i32
    %dma_start3A_81 = arith.constant 0 : i32
    %dma_start3A_82 = tpu.memref_slice %arg2[%dma_start3A_80, %dma_start3A_81] : memref<10000x128xf32, #tpu.memory_space<hbm>> -> memref<10000x128xf32, #tpu.memory_space<hbm>>
    tpu.enqueue_indirect_dma source(%dma_start3A_82 : memref<10000x128xf32, #tpu.memory_space<hbm>>) target(%arg10 : memref<40x128xf32, #tpu.memory_space<vmem>>) offsets(%dma_start3A_79 : memref<40xi32, #tpu.memory_space<vmem>>) semaphore(%arg16 : memref<!tpu.dma_semaphore, #tpu.memory_space<semaphore_mem>>)
    %dma_wait3A_83 = arith.constant 80 : i32
    %dma_wait3A_84 = tpu.memref_slice %arg8[%dma_wait3A_83] : memref<10000xi32, #tpu.memory_space<vmem>> -> memref<40xi32, #tpu.memory_space<vmem>>
    %dma_wait3A_85 = arith.constant 0 : i32
    %dma_wait3A_86 = arith.constant 0 : i32
    %dma_wait3A_87 = tpu.memref_slice %arg2[%dma_wait3A_85, %dma_wait3A_86] : memref<10000x128xf32, #tpu.memory_space<hbm>> -> memref<10000x128xf32, #tpu.memory_space<hbm>>
    tpu.wait_indirect_dma semaphore(%arg18 : memref<!tpu.dma_semaphore, #tpu.memory_space<semaphore_mem>>) src(%dma_wait3A_87 : memref<10000x128xf32, #tpu.memory_space<hbm>>) dst(%arg12 : memref<40x128xf32, #tpu.memory_space<vmem>>)
    %dma_start3A_88 = arith.constant 80 : i32
    %dma_start3A_89 = tpu.memref_slice %arg9[%dma_start3A_88] : memref<10000xi32, #tpu.memory_space<vmem>> -> memref<40xi32, #tpu.memory_space<vmem>>
    %dma_start3A_90 = arith.constant 0 : i32
    %dma_start3A_91 = arith.constant 0 : i32
    %dma_start3A_92 = tpu.memref_slice %arg7[%dma_start3A_90, %dma_start3A_91] : memref<10000x128xf32, #tpu.memory_space<vmem_shared>> -> memref<10000x128xf32, #tpu.memory_space<vmem_shared>>
    tpu.enqueue_indirect_dma source(%arg12 : memref<40x128xf32, #tpu.memory_space<vmem>>) target(%dma_start3A_92 : memref<10000x128xf32, #tpu.memory_space<vmem_shared>>) offsets(%dma_start3A_89 : memref<40xi32, #tpu.memory_space<vmem>>) semaphore(%arg24 : memref<!tpu.dma_semaphore, #tpu.memory_space<semaphore_mem>>) {add = true}
    %dma_wait3A_93 = arith.constant 40 : i32
    %dma_wait3A_94 = tpu.memref_slice %arg9[%dma_wait3A_93] : memref<10000xi32, #tpu.memory_space<vmem>> -> memref<40xi32, #tpu.memory_space<vmem>>
    %dma_wait3A_95 = arith.constant 0 : i32
    %dma_wait3A_96 = arith.constant 0 : i32
    %dma_wait3A_97 = tpu.memref_slice %arg7[%dma_wait3A_95, %dma_wait3A_96] : memref<10000x128xf32, #tpu.memory_space<vmem_shared>> -> memref<10000x128xf32, #tpu.memory_space<vmem_shared>>
    tpu.wait_indirect_dma semaphore(%arg23 : memref<!tpu.dma_semaphore, #tpu.memory_space<semaphore_mem>>) src(%arg11 : memref<40x128xf32, #tpu.memory_space<vmem>>) dst(%dma_wait3A_97 : memref<10000x128xf32, #tpu.memory_space<vmem_shared>>)
    %dma_start3A_98 = arith.constant 280 : i32
    %dma_start3A_99 = tpu.memref_slice %arg8[%dma_start3A_98] : memref<10000xi32, #tpu.memory_space<vmem>> -> memref<40xi32, #tpu.memory_space<vmem>>
    %dma_start3A_100 = arith.constant 0 : i32
    %dma_start3A_101 = arith.constant 0 : i32
    %dma_start3A_102 = tpu.memref_slice %arg2[%dma_start3A_100, %dma_start3A_101] : memref<10000x128xf32, #tpu.memory_space<hbm>> -> memref<10000x128xf32, #tpu.memory_space<hbm>>
    tpu.enqueue_indirect_dma source(%dma_start3A_102 : memref<10000x128xf32, #tpu.memory_space<hbm>>) target(%arg11 : memref<40x128xf32, #tpu.memory_space<vmem>>) offsets(%dma_start3A_99 : memref<40xi32, #tpu.memory_space<vmem>>) semaphore(%arg17 : memref<!tpu.dma_semaphore, #tpu.memory_space<semaphore_mem>>)
    %dma_wait3A_103 = arith.constant 120 : i32
    %dma_wait3A_104 = tpu.memref_slice %arg8[%dma_wait3A_103] : memref<10000xi32, #tpu.memory_space<vmem>> -> memref<40xi32, #tpu.memory_space<vmem>>
    %dma_wait3A_105 = arith.constant 0 : i32
    %dma_wait3A_106 = arith.constant 0 : i32
    %dma_wait3A_107 = tpu.memref_slice %arg2[%dma_wait3A_105, %dma_wait3A_106] : memref<10000x128xf32, #tpu.memory_space<hbm>> -> memref<10000x128xf32, #tpu.memory_space<hbm>>
    tpu.wait_indirect_dma semaphore(%arg19 : memref<!tpu.dma_semaphore, #tpu.memory_space<semaphore_mem>>) src(%dma_wait3A_107 : memref<10000x128xf32, #tpu.memory_space<hbm>>) dst(%arg13 : memref<40x128xf32, #tpu.memory_space<vmem>>)
    %dma_start3A_108 = arith.constant 120 : i32
    %dma_start3A_109 = tpu.memref_slice %arg9[%dma_start3A_108] : memref<10000xi32, #tpu.memory_space<vmem>> -> memref<40xi32, #tpu.memory_space<vmem>>
    %dma_start3A_110 = arith.constant 0 : i32
    %dma_start3A_111 = arith.constant 0 : i32
    %dma_start3A_112 = tpu.memref_slice %arg7[%dma_start3A_110, %dma_start3A_111] : memref<10000x128xf32, #tpu.memory_space<vmem_shared>> -> memref<10000x128xf32, #tpu.memory_space<vmem_shared>>
    tpu.enqueue_indirect_dma source(%arg13 : memref<40x128xf32, #tpu.memory_space<vmem>>) target(%dma_start3A_112 : memref<10000x128xf32, #tpu.memory_space<vmem_shared>>) offsets(%dma_start3A_109 : memref<40xi32, #tpu.memory_space<vmem>>) semaphore(%arg25 : memref<!tpu.dma_semaphore, #tpu.memory_space<semaphore_mem>>) {add = true}
    %dma_wait3A_113 = arith.constant 80 : i32
    %dma_wait3A_114 = tpu.memref_slice %arg9[%dma_wait3A_113] : memref<10000xi32, #tpu.memory_space<vmem>> -> memref<40xi32, #tpu.memory_space<vmem>>
    %dma_wait3A_115 = arith.constant 0 : i32
    %dma_wait3A_116 = arith.constant 0 : i32
    %dma_wait3A_117 = tpu.memref_slice %arg7[%dma_wait3A_115, %dma_wait3A_116] : memref<10000x128xf32, #tpu.memory_space<vmem_shared>> -> memref<10000x128xf32, #tpu.memory_space<vmem_shared>>
    tpu.wait_indirect_dma semaphore(%arg24 : memref<!tpu.dma_semaphore, #tpu.memory_space<semaphore_mem>>) src(%arg12 : memref<40x128xf32, #tpu.memory_space<vmem>>) dst(%dma_wait3A_117 : memref<10000x128xf32, #tpu.memory_space<vmem_shared>>)
    %dma_start3A_118 = arith.constant 320 : i32
    %dma_start3A_119 = tpu.memref_slice %arg8[%dma_start3A_118] : memref<10000xi32, #tpu.memory_space<vmem>> -> memref<40xi32, #tpu.memory_space<vmem>>
    %dma_start3A_120 = arith.constant 0 : i32
    %dma_start3A_121 = arith.constant 0 : i32
    %dma_start3A_122 = tpu.memref_slice %arg2[%dma_start3A_120, %dma_start3A_121] : memref<10000x128xf32, #tpu.memory_space<hbm>> -> memref<10000x128xf32, #tpu.memory_space<hbm>>
    tpu.enqueue_indirect_dma source(%dma_start3A_122 : memref<10000x128xf32, #tpu.memory_space<hbm>>) target(%arg12 : memref<40x128xf32, #tpu.memory_space<vmem>>) offsets(%dma_start3A_119 : memref<40xi32, #tpu.memory_space<vmem>>) semaphore(%arg18 : memref<!tpu.dma_semaphore, #tpu.memory_space<semaphore_mem>>)
    %dma_wait3A_123 = arith.constant 160 : i32
    %dma_wait3A_124 = tpu.memref_slice %arg8[%dma_wait3A_123] : memref<10000xi32, #tpu.memory_space<vmem>> -> memref<40xi32, #tpu.memory_space<vmem>>
    %dma_wait3A_125 = arith.constant 0 : i32
    %dma_wait3A_126 = arith.constant 0 : i32
    %dma_wait3A_127 = tpu.memref_slice %arg2[%dma_wait3A_125, %dma_wait3A_126] : memref<10000x128xf32, #tpu.memory_space<hbm>> -> memref<10000x128xf32, #tpu.memory_space<hbm>>
    tpu.wait_indirect_dma semaphore(%arg20 : memref<!tpu.dma_semaphore, #tpu.memory_space<semaphore_mem>>) src(%dma_wait3A_127 : memref<10000x128xf32, #tpu.memory_space<hbm>>) dst(%arg14 : memref<40x128xf32, #tpu.memory_space<vmem>>)
    %dma_start3A_128 = arith.constant 160 : i32
    %dma_start3A_129 = tpu.memref_slice %arg9[%dma_start3A_128] : memref<10000xi32, #tpu.memory_space<vmem>> -> memref<40xi32, #tpu.memory_space<vmem>>
    %dma_start3A_130 = arith.constant 0 : i32
    %dma_start3A_131 = arith.constant 0 : i32
    %dma_start3A_132 = tpu.memref_slice %arg7[%dma_start3A_130, %dma_start3A_131] : memref<10000x128xf32, #tpu.memory_space<vmem_shared>> -> memref<10000x128xf32, #tpu.memory_space<vmem_shared>>
    tpu.enqueue_indirect_dma source(%arg14 : memref<40x128xf32, #tpu.memory_space<vmem>>) target(%dma_start3A_132 : memref<10000x128xf32, #tpu.memory_space<vmem_shared>>) offsets(%dma_start3A_129 : memref<40xi32, #tpu.memory_space<vmem>>) semaphore(%arg26 : memref<!tpu.dma_semaphore, #tpu.memory_space<semaphore_mem>>) {add = true}
    %dma_wait3A_133 = arith.constant 120 : i32
    %dma_wait3A_134 = tpu.memref_slice %arg9[%dma_wait3A_133] : memref<10000xi32, #tpu.memory_space<vmem>> -> memref<40xi32, #tpu.memory_space<vmem>>
    %dma_wait3A_135 = arith.constant 0 : i32
    %dma_wait3A_136 = arith.constant 0 : i32
    %dma_wait3A_137 = tpu.memref_slice %arg7[%dma_wait3A_135, %dma_wait3A_136] : memref<10000x128xf32, #tpu.memory_space<vmem_shared>> -> memref<10000x128xf32, #tpu.memory_space<vmem_shared>>
    tpu.wait_indirect_dma semaphore(%arg25 : memref<!tpu.dma_semaphore, #tpu.memory_space<semaphore_mem>>) src(%arg13 : memref<40x128xf32, #tpu.memory_space<vmem>>) dst(%dma_wait3A_137 : memref<10000x128xf32, #tpu.memory_space<vmem_shared>>)
    %dma_start3A_138 = arith.constant 360 : i32
    %dma_start3A_139 = tpu.memref_slice %arg8[%dma_start3A_138] : memref<10000xi32, #tpu.memory_space<vmem>> -> memref<40xi32, #tpu.memory_space<vmem>>
    %dma_start3A_140 = arith.constant 0 : i32
    %dma_start3A_141 = arith.constant 0 : i32
    %dma_start3A_142 = tpu.memref_slice %arg2[%dma_start3A_140, %dma_start3A_141] : memref<10000x128xf32, #tpu.memory_space<hbm>> -> memref<10000x128xf32, #tpu.memory_space<hbm>>
    tpu.enqueue_indirect_dma source(%dma_start3A_142 : memref<10000x128xf32, #tpu.memory_space<hbm>>) target(%arg13 : memref<40x128xf32, #tpu.memory_space<vmem>>) offsets(%dma_start3A_139 : memref<40xi32, #tpu.memory_space<vmem>>) semaphore(%arg19 : memref<!tpu.dma_semaphore, #tpu.memory_space<semaphore_mem>>)
    %scan3A = arith.constant 0 : i32
    %scan3A_143 = arith.constant 0 : i32
    %scan3A_144 = arith.constant 40 : i32
    %scan3A_145 = arith.addi %scan3A_143, %scan3A_144 : i32
    %scan3A_146 = arith.constant 1 : i32
    scf.for %scan3A_443 = %scan3A_143 to %scan3A_145 step %scan3A_146  : i32 {
      %mul3A_444 = arith.constant 6 : i32
      %mul3A_445 = arith.muli %mul3A_444, %scan3A_443 : i32
      %add3A_446 = arith.constant 5 : i32
      %add3A_447 = arith.addi %add3A_446, %mul3A_445 : i32
      %add3A_448 = arith.constant 0 : i32
      %add3A_449 = arith.addi %add3A_447, %add3A_448 : i32
      %sub3A = arith.constant 0 : i32
      %sub3A_450 = arith.subi %add3A_449, %sub3A : i32
      %mul3A_451 = arith.constant 40 : i32
      %mul3A_452 = arith.muli %sub3A_450, %mul3A_451 : i32
      %dma_wait3A_453 = tpu.memref_slice %arg8[%mul3A_452] : memref<10000xi32, #tpu.memory_space<vmem>> -> memref<40xi32, #tpu.memory_space<vmem>>
      %dma_wait3A_454 = arith.constant 0 : i32
      %dma_wait3A_455 = arith.constant 0 : i32
      %dma_wait3A_456 = tpu.memref_slice %arg2[%dma_wait3A_454, %dma_wait3A_455] : memref<10000x128xf32, #tpu.memory_space<hbm>> -> memref<10000x128xf32, #tpu.memory_space<hbm>>
      tpu.wait_indirect_dma semaphore(%arg21 : memref<!tpu.dma_semaphore, #tpu.memory_space<semaphore_mem>>) src(%dma_wait3A_456 : memref<10000x128xf32, #tpu.memory_space<hbm>>) dst(%arg15 : memref<40x128xf32, #tpu.memory_space<vmem>>)
      %mul3A_457 = arith.constant 40 : i32
      %mul3A_458 = arith.muli %sub3A_450, %mul3A_457 : i32
      %dma_start3A_459 = tpu.memref_slice %arg9[%mul3A_458] : memref<10000xi32, #tpu.memory_space<vmem>> -> memref<40xi32, #tpu.memory_space<vmem>>
      %dma_start3A_460 = arith.constant 0 : i32
      %dma_start3A_461 = arith.constant 0 : i32
      %dma_start3A_462 = tpu.memref_slice %arg7[%dma_start3A_460, %dma_start3A_461] : memref<10000x128xf32, #tpu.memory_space<vmem_shared>> -> memref<10000x128xf32, #tpu.memory_space<vmem_shared>>
      tpu.enqueue_indirect_dma source(%arg15 : memref<40x128xf32, #tpu.memory_space<vmem>>) target(%dma_start3A_462 : memref<10000x128xf32, #tpu.memory_space<vmem_shared>>) offsets(%dma_start3A_459 : memref<40xi32, #tpu.memory_space<vmem>>) semaphore(%arg27 : memref<!tpu.dma_semaphore, #tpu.memory_space<semaphore_mem>>) {add = true}
      %sub3A_463 = arith.constant 1 : i32
      %sub3A_464 = arith.subi %sub3A_450, %sub3A_463 : i32
      %mul3A_465 = arith.constant 40 : i32
      %mul3A_466 = arith.muli %sub3A_464, %mul3A_465 : i32
      %dma_wait3A_467 = tpu.memref_slice %arg9[%mul3A_466] : memref<10000xi32, #tpu.memory_space<vmem>> -> memref<40xi32, #tpu.memory_space<vmem>>
      %dma_wait3A_468 = arith.constant 0 : i32
      %dma_wait3A_469 = arith.constant 0 : i32
      %dma_wait3A_470 = tpu.memref_slice %arg7[%dma_wait3A_468, %dma_wait3A_469] : memref<10000x128xf32, #tpu.memory_space<vmem_shared>> -> memref<10000x128xf32, #tpu.memory_space<vmem_shared>>
      tpu.wait_indirect_dma semaphore(%arg26 : memref<!tpu.dma_semaphore, #tpu.memory_space<semaphore_mem>>) src(%arg14 : memref<40x128xf32, #tpu.memory_space<vmem>>) dst(%dma_wait3A_470 : memref<10000x128xf32, #tpu.memory_space<vmem_shared>>)
      %add3A_471 = arith.constant 6 : i32
      %add3A_472 = arith.addi %sub3A_450, %add3A_471 : i32
      %sub3A_473 = arith.constant 1 : i32
      %sub3A_474 = arith.subi %add3A_472, %sub3A_473 : i32
      %mul3A_475 = arith.constant 40 : i32
      %mul3A_476 = arith.muli %sub3A_474, %mul3A_475 : i32
      %dma_start3A_477 = tpu.memref_slice %arg8[%mul3A_476] : memref<10000xi32, #tpu.memory_space<vmem>> -> memref<40xi32, #tpu.memory_space<vmem>>
      %dma_start3A_478 = arith.constant 0 : i32
      %dma_start3A_479 = arith.constant 0 : i32
      %dma_start3A_480 = tpu.memref_slice %arg2[%dma_start3A_478, %dma_start3A_479] : memref<10000x128xf32, #tpu.memory_space<hbm>> -> memref<10000x128xf32, #tpu.memory_space<hbm>>
      tpu.enqueue_indirect_dma source(%dma_start3A_480 : memref<10000x128xf32, #tpu.memory_space<hbm>>) target(%arg14 : memref<40x128xf32, #tpu.memory_space<vmem>>) offsets(%dma_start3A_477 : memref<40xi32, #tpu.memory_space<vmem>>) semaphore(%arg20 : memref<!tpu.dma_semaphore, #tpu.memory_space<semaphore_mem>>)
      %add3A_481 = arith.constant 1 : i32
      %add3A_482 = arith.addi %add3A_447, %add3A_481 : i32
      %sub3A_483 = arith.constant 0 : i32
      %sub3A_484 = arith.subi %add3A_482, %sub3A_483 : i32
      %mul3A_485 = arith.constant 40 : i32
      %mul3A_486 = arith.muli %sub3A_484, %mul3A_485 : i32
      %dma_wait3A_487 = tpu.memref_slice %arg8[%mul3A_486] : memref<10000xi32, #tpu.memory_space<vmem>> -> memref<40xi32, #tpu.memory_space<vmem>>
      %dma_wait3A_488 = arith.constant 0 : i32
      %dma_wait3A_489 = arith.constant 0 : i32
      %dma_wait3A_490 = tpu.memref_slice %arg2[%dma_wait3A_488, %dma_wait3A_489] : memref<10000x128xf32, #tpu.memory_space<hbm>> -> memref<10000x128xf32, #tpu.memory_space<hbm>>
      tpu.wait_indirect_dma semaphore(%arg16 : memref<!tpu.dma_semaphore, #tpu.memory_space<semaphore_mem>>) src(%dma_wait3A_490 : memref<10000x128xf32, #tpu.memory_space<hbm>>) dst(%arg10 : memref<40x128xf32, #tpu.memory_space<vmem>>)
      %mul3A_491 = arith.constant 40 : i32
      %mul3A_492 = arith.muli %sub3A_484, %mul3A_491 : i32
      %dma_start3A_493 = tpu.memref_slice %arg9[%mul3A_492] : memref<10000xi32, #tpu.memory_space<vmem>> -> memref<40xi32, #tpu.memory_space<vmem>>
      %dma_start3A_494 = arith.constant 0 : i32
      %dma_start3A_495 = arith.constant 0 : i32
      %dma_start3A_496 = tpu.memref_slice %arg7[%dma_start3A_494, %dma_start3A_495] : memref<10000x128xf32, #tpu.memory_space<vmem_shared>> -> memref<10000x128xf32, #tpu.memory_space<vmem_shared>>
      tpu.enqueue_indirect_dma source(%arg10 : memref<40x128xf32, #tpu.memory_space<vmem>>) target(%dma_start3A_496 : memref<10000x128xf32, #tpu.memory_space<vmem_shared>>) offsets(%dma_start3A_493 : memref<40xi32, #tpu.memory_space<vmem>>) semaphore(%arg22 : memref<!tpu.dma_semaphore, #tpu.memory_space<semaphore_mem>>) {add = true}
      %sub3A_497 = arith.constant 1 : i32
      %sub3A_498 = arith.subi %sub3A_484, %sub3A_497 : i32
      %mul3A_499 = arith.constant 40 : i32
      %mul3A_500 = arith.muli %sub3A_498, %mul3A_499 : i32
      %dma_wait3A_501 = tpu.memref_slice %arg9[%mul3A_500] : memref<10000xi32, #tpu.memory_space<vmem>> -> memref<40xi32, #tpu.memory_space<vmem>>
      %dma_wait3A_502 = arith.constant 0 : i32
      %dma_wait3A_503 = arith.constant 0 : i32
      %dma_wait3A_504 = tpu.memref_slice %arg7[%dma_wait3A_502, %dma_wait3A_503] : memref<10000x128xf32, #tpu.memory_space<vmem_shared>> -> memref<10000x128xf32, #tpu.memory_space<vmem_shared>>
      tpu.wait_indirect_dma semaphore(%arg27 : memref<!tpu.dma_semaphore, #tpu.memory_space<semaphore_mem>>) src(%arg15 : memref<40x128xf32, #tpu.memory_space<vmem>>) dst(%dma_wait3A_504 : memref<10000x128xf32, #tpu.memory_space<vmem_shared>>)
      %add3A_505 = arith.constant 6 : i32
      %add3A_506 = arith.addi %sub3A_484, %add3A_505 : i32
      %sub3A_507 = arith.constant 1 : i32
      %sub3A_508 = arith.subi %add3A_506, %sub3A_507 : i32
      %mul3A_509 = arith.constant 40 : i32
      %mul3A_510 = arith.muli %sub3A_508, %mul3A_509 : i32
      %dma_start3A_511 = tpu.memref_slice %arg8[%mul3A_510] : memref<10000xi32, #tpu.memory_space<vmem>> -> memref<40xi32, #tpu.memory_space<vmem>>
      %dma_start3A_512 = arith.constant 0 : i32
      %dma_start3A_513 = arith.constant 0 : i32
      %dma_start3A_514 = tpu.memref_slice %arg2[%dma_start3A_512, %dma_start3A_513] : memref<10000x128xf32, #tpu.memory_space<hbm>> -> memref<10000x128xf32, #tpu.memory_space<hbm>>
      tpu.enqueue_indirect_dma source(%dma_start3A_514 : memref<10000x128xf32, #tpu.memory_space<hbm>>) target(%arg15 : memref<40x128xf32, #tpu.memory_space<vmem>>) offsets(%dma_start3A_511 : memref<40xi32, #tpu.memory_space<vmem>>) semaphore(%arg21 : memref<!tpu.dma_semaphore, #tpu.memory_space<semaphore_mem>>)
      %add3A_515 = arith.constant 2 : i32
      %add3A_516 = arith.addi %add3A_447, %add3A_515 : i32
      %sub3A_517 = arith.constant 0 : i32
      %sub3A_518 = arith.subi %add3A_516, %sub3A_517 : i32
      %mul3A_519 = arith.constant 40 : i32
      %mul3A_520 = arith.muli %sub3A_518, %mul3A_519 : i32
      %dma_wait3A_521 = tpu.memref_slice %arg8[%mul3A_520] : memref<10000xi32, #tpu.memory_space<vmem>> -> memref<40xi32, #tpu.memory_space<vmem>>
      %dma_wait3A_522 = arith.constant 0 : i32
      %dma_wait3A_523 = arith.constant 0 : i32
      %dma_wait3A_524 = tpu.memref_slice %arg2[%dma_wait3A_522, %dma_wait3A_523] : memref<10000x128xf32, #tpu.memory_space<hbm>> -> memref<10000x128xf32, #tpu.memory_space<hbm>>
      tpu.wait_indirect_dma semaphore(%arg17 : memref<!tpu.dma_semaphore, #tpu.memory_space<semaphore_mem>>) src(%dma_wait3A_524 : memref<10000x128xf32, #tpu.memory_space<hbm>>) dst(%arg11 : memref<40x128xf32, #tpu.memory_space<vmem>>)
      %mul3A_525 = arith.constant 40 : i32
      %mul3A_526 = arith.muli %sub3A_518, %mul3A_525 : i32
      %dma_start3A_527 = tpu.memref_slice %arg9[%mul3A_526] : memref<10000xi32, #tpu.memory_space<vmem>> -> memref<40xi32, #tpu.memory_space<vmem>>
      %dma_start3A_528 = arith.constant 0 : i32
      %dma_start3A_529 = arith.constant 0 : i32
      %dma_start3A_530 = tpu.memref_slice %arg7[%dma_start3A_528, %dma_start3A_529] : memref<10000x128xf32, #tpu.memory_space<vmem_shared>> -> memref<10000x128xf32, #tpu.memory_space<vmem_shared>>
      tpu.enqueue_indirect_dma source(%arg11 : memref<40x128xf32, #tpu.memory_space<vmem>>) target(%dma_start3A_530 : memref<10000x128xf32, #tpu.memory_space<vmem_shared>>) offsets(%dma_start3A_527 : memref<40xi32, #tpu.memory_space<vmem>>) semaphore(%arg23 : memref<!tpu.dma_semaphore, #tpu.memory_space<semaphore_mem>>) {add = true}
      %sub3A_531 = arith.constant 1 : i32
      %sub3A_532 = arith.subi %sub3A_518, %sub3A_531 : i32
      %mul3A_533 = arith.constant 40 : i32
      %mul3A_534 = arith.muli %sub3A_532, %mul3A_533 : i32
      %dma_wait3A_535 = tpu.memref_slice %arg9[%mul3A_534] : memref<10000xi32, #tpu.memory_space<vmem>> -> memref<40xi32, #tpu.memory_space<vmem>>
      %dma_wait3A_536 = arith.constant 0 : i32
      %dma_wait3A_537 = arith.constant 0 : i32
      %dma_wait3A_538 = tpu.memref_slice %arg7[%dma_wait3A_536, %dma_wait3A_537] : memref<10000x128xf32, #tpu.memory_space<vmem_shared>> -> memref<10000x128xf32, #tpu.memory_space<vmem_shared>>
      tpu.wait_indirect_dma semaphore(%arg22 : memref<!tpu.dma_semaphore, #tpu.memory_space<semaphore_mem>>) src(%arg10 : memref<40x128xf32, #tpu.memory_space<vmem>>) dst(%dma_wait3A_538 : memref<10000x128xf32, #tpu.memory_space<vmem_shared>>)
      %add3A_539 = arith.constant 6 : i32
      %add3A_540 = arith.addi %sub3A_518, %add3A_539 : i32
      %sub3A_541 = arith.constant 1 : i32
      %sub3A_542 = arith.subi %add3A_540, %sub3A_541 : i32
      %mul3A_543 = arith.constant 40 : i32
      %mul3A_544 = arith.muli %sub3A_542, %mul3A_543 : i32
      %dma_start3A_545 = tpu.memref_slice %arg8[%mul3A_544] : memref<10000xi32, #tpu.memory_space<vmem>> -> memref<40xi32, #tpu.memory_space<vmem>>
      %dma_start3A_546 = arith.constant 0 : i32
      %dma_start3A_547 = arith.constant 0 : i32
      %dma_start3A_548 = tpu.memref_slice %arg2[%dma_start3A_546, %dma_start3A_547] : memref<10000x128xf32, #tpu.memory_space<hbm>> -> memref<10000x128xf32, #tpu.memory_space<hbm>>
      tpu.enqueue_indirect_dma source(%dma_start3A_548 : memref<10000x128xf32, #tpu.memory_space<hbm>>) target(%arg10 : memref<40x128xf32, #tpu.memory_space<vmem>>) offsets(%dma_start3A_545 : memref<40xi32, #tpu.memory_space<vmem>>) semaphore(%arg16 : memref<!tpu.dma_semaphore, #tpu.memory_space<semaphore_mem>>)
      %add3A_549 = arith.constant 3 : i32
      %add3A_550 = arith.addi %add3A_447, %add3A_549 : i32
      %sub3A_551 = arith.constant 0 : i32
      %sub3A_552 = arith.subi %add3A_550, %sub3A_551 : i32
      %mul3A_553 = arith.constant 40 : i32
      %mul3A_554 = arith.muli %sub3A_552, %mul3A_553 : i32
      %dma_wait3A_555 = tpu.memref_slice %arg8[%mul3A_554] : memref<10000xi32, #tpu.memory_space<vmem>> -> memref<40xi32, #tpu.memory_space<vmem>>
      %dma_wait3A_556 = arith.constant 0 : i32
      %dma_wait3A_557 = arith.constant 0 : i32
      %dma_wait3A_558 = tpu.memref_slice %arg2[%dma_wait3A_556, %dma_wait3A_557] : memref<10000x128xf32, #tpu.memory_space<hbm>> -> memref<10000x128xf32, #tpu.memory_space<hbm>>
      tpu.wait_indirect_dma semaphore(%arg18 : memref<!tpu.dma_semaphore, #tpu.memory_space<semaphore_mem>>) src(%dma_wait3A_558 : memref<10000x128xf32, #tpu.memory_space<hbm>>) dst(%arg12 : memref<40x128xf32, #tpu.memory_space<vmem>>)
      %mul3A_559 = arith.constant 40 : i32
      %mul3A_560 = arith.muli %sub3A_552, %mul3A_559 : i32
      %dma_start3A_561 = tpu.memref_slice %arg9[%mul3A_560] : memref<10000xi32, #tpu.memory_space<vmem>> -> memref<40xi32, #tpu.memory_space<vmem>>
      %dma_start3A_562 = arith.constant 0 : i32
      %dma_start3A_563 = arith.constant 0 : i32
      %dma_start3A_564 = tpu.memref_slice %arg7[%dma_start3A_562, %dma_start3A_563] : memref<10000x128xf32, #tpu.memory_space<vmem_shared>> -> memref<10000x128xf32, #tpu.memory_space<vmem_shared>>
      tpu.enqueue_indirect_dma source(%arg12 : memref<40x128xf32, #tpu.memory_space<vmem>>) target(%dma_start3A_564 : memref<10000x128xf32, #tpu.memory_space<vmem_shared>>) offsets(%dma_start3A_561 : memref<40xi32, #tpu.memory_space<vmem>>) semaphore(%arg24 : memref<!tpu.dma_semaphore, #tpu.memory_space<semaphore_mem>>) {add = true}
      %sub3A_565 = arith.constant 1 : i32
      %sub3A_566 = arith.subi %sub3A_552, %sub3A_565 : i32
      %mul3A_567 = arith.constant 40 : i32
      %mul3A_568 = arith.muli %sub3A_566, %mul3A_567 : i32
      %dma_wait3A_569 = tpu.memref_slice %arg9[%mul3A_568] : memref<10000xi32, #tpu.memory_space<vmem>> -> memref<40xi32, #tpu.memory_space<vmem>>
      %dma_wait3A_570 = arith.constant 0 : i32
      %dma_wait3A_571 = arith.constant 0 : i32
      %dma_wait3A_572 = tpu.memref_slice %arg7[%dma_wait3A_570, %dma_wait3A_571] : memref<10000x128xf32, #tpu.memory_space<vmem_shared>> -> memref<10000x128xf32, #tpu.memory_space<vmem_shared>>
      tpu.wait_indirect_dma semaphore(%arg23 : memref<!tpu.dma_semaphore, #tpu.memory_space<semaphore_mem>>) src(%arg11 : memref<40x128xf32, #tpu.memory_space<vmem>>) dst(%dma_wait3A_572 : memref<10000x128xf32, #tpu.memory_space<vmem_shared>>)
      %add3A_573 = arith.constant 6 : i32
      %add3A_574 = arith.addi %sub3A_552, %add3A_573 : i32
      %sub3A_575 = arith.constant 1 : i32
      %sub3A_576 = arith.subi %add3A_574, %sub3A_575 : i32
      %mul3A_577 = arith.constant 40 : i32
      %mul3A_578 = arith.muli %sub3A_576, %mul3A_577 : i32
      %dma_start3A_579 = tpu.memref_slice %arg8[%mul3A_578] : memref<10000xi32, #tpu.memory_space<vmem>> -> memref<40xi32, #tpu.memory_space<vmem>>
      %dma_start3A_580 = arith.constant 0 : i32
      %dma_start3A_581 = arith.constant 0 : i32
      %dma_start3A_582 = tpu.memref_slice %arg2[%dma_start3A_580, %dma_start3A_581] : memref<10000x128xf32, #tpu.memory_space<hbm>> -> memref<10000x128xf32, #tpu.memory_space<hbm>>
      tpu.enqueue_indirect_dma source(%dma_start3A_582 : memref<10000x128xf32, #tpu.memory_space<hbm>>) target(%arg11 : memref<40x128xf32, #tpu.memory_space<vmem>>) offsets(%dma_start3A_579 : memref<40xi32, #tpu.memory_space<vmem>>) semaphore(%arg17 : memref<!tpu.dma_semaphore, #tpu.memory_space<semaphore_mem>>)
      %add3A_583 = arith.constant 4 : i32
      %add3A_584 = arith.addi %add3A_447, %add3A_583 : i32
      %sub3A_585 = arith.constant 0 : i32
      %sub3A_586 = arith.subi %add3A_584, %sub3A_585 : i32
      %mul3A_587 = arith.constant 40 : i32
      %mul3A_588 = arith.muli %sub3A_586, %mul3A_587 : i32
      %dma_wait3A_589 = tpu.memref_slice %arg8[%mul3A_588] : memref<10000xi32, #tpu.memory_space<vmem>> -> memref<40xi32, #tpu.memory_space<vmem>>
      %dma_wait3A_590 = arith.constant 0 : i32
      %dma_wait3A_591 = arith.constant 0 : i32
      %dma_wait3A_592 = tpu.memref_slice %arg2[%dma_wait3A_590, %dma_wait3A_591] : memref<10000x128xf32, #tpu.memory_space<hbm>> -> memref<10000x128xf32, #tpu.memory_space<hbm>>
      tpu.wait_indirect_dma semaphore(%arg19 : memref<!tpu.dma_semaphore, #tpu.memory_space<semaphore_mem>>) src(%dma_wait3A_592 : memref<10000x128xf32, #tpu.memory_space<hbm>>) dst(%arg13 : memref<40x128xf32, #tpu.memory_space<vmem>>)
      %mul3A_593 = arith.constant 40 : i32
      %mul3A_594 = arith.muli %sub3A_586, %mul3A_593 : i32
      %dma_start3A_595 = tpu.memref_slice %arg9[%mul3A_594] : memref<10000xi32, #tpu.memory_space<vmem>> -> memref<40xi32, #tpu.memory_space<vmem>>
      %dma_start3A_596 = arith.constant 0 : i32
      %dma_start3A_597 = arith.constant 0 : i32
      %dma_start3A_598 = tpu.memref_slice %arg7[%dma_start3A_596, %dma_start3A_597] : memref<10000x128xf32, #tpu.memory_space<vmem_shared>> -> memref<10000x128xf32, #tpu.memory_space<vmem_shared>>
      tpu.enqueue_indirect_dma source(%arg13 : memref<40x128xf32, #tpu.memory_space<vmem>>) target(%dma_start3A_598 : memref<10000x128xf32, #tpu.memory_space<vmem_shared>>) offsets(%dma_start3A_595 : memref<40xi32, #tpu.memory_space<vmem>>) semaphore(%arg25 : memref<!tpu.dma_semaphore, #tpu.memory_space<semaphore_mem>>) {add = true}
      %sub3A_599 = arith.constant 1 : i32
      %sub3A_600 = arith.subi %sub3A_586, %sub3A_599 : i32
      %mul3A_601 = arith.constant 40 : i32
      %mul3A_602 = arith.muli %sub3A_600, %mul3A_601 : i32
      %dma_wait3A_603 = tpu.memref_slice %arg9[%mul3A_602] : memref<10000xi32, #tpu.memory_space<vmem>> -> memref<40xi32, #tpu.memory_space<vmem>>
      %dma_wait3A_604 = arith.constant 0 : i32
      %dma_wait3A_605 = arith.constant 0 : i32
      %dma_wait3A_606 = tpu.memref_slice %arg7[%dma_wait3A_604, %dma_wait3A_605] : memref<10000x128xf32, #tpu.memory_space<vmem_shared>> -> memref<10000x128xf32, #tpu.memory_space<vmem_shared>>
      tpu.wait_indirect_dma semaphore(%arg24 : memref<!tpu.dma_semaphore, #tpu.memory_space<semaphore_mem>>) src(%arg12 : memref<40x128xf32, #tpu.memory_space<vmem>>) dst(%dma_wait3A_606 : memref<10000x128xf32, #tpu.memory_space<vmem_shared>>)
      %add3A_607 = arith.constant 6 : i32
      %add3A_608 = arith.addi %sub3A_586, %add3A_607 : i32
      %sub3A_609 = arith.constant 1 : i32
      %sub3A_610 = arith.subi %add3A_608, %sub3A_609 : i32
      %mul3A_611 = arith.constant 40 : i32
      %mul3A_612 = arith.muli %sub3A_610, %mul3A_611 : i32
      %dma_start3A_613 = tpu.memref_slice %arg8[%mul3A_612] : memref<10000xi32, #tpu.memory_space<vmem>> -> memref<40xi32, #tpu.memory_space<vmem>>
      %dma_start3A_614 = arith.constant 0 : i32
      %dma_start3A_615 = arith.constant 0 : i32
      %dma_start3A_616 = tpu.memref_slice %arg2[%dma_start3A_614, %dma_start3A_615] : memref<10000x128xf32, #tpu.memory_space<hbm>> -> memref<10000x128xf32, #tpu.memory_space<hbm>>
      tpu.enqueue_indirect_dma source(%dma_start3A_616 : memref<10000x128xf32, #tpu.memory_space<hbm>>) target(%arg12 : memref<40x128xf32, #tpu.memory_space<vmem>>) offsets(%dma_start3A_613 : memref<40xi32, #tpu.memory_space<vmem>>) semaphore(%arg18 : memref<!tpu.dma_semaphore, #tpu.memory_space<semaphore_mem>>)
      %add3A_617 = arith.constant 5 : i32
      %add3A_618 = arith.addi %add3A_447, %add3A_617 : i32
      %sub3A_619 = arith.constant 0 : i32
      %sub3A_620 = arith.subi %add3A_618, %sub3A_619 : i32
      %mul3A_621 = arith.constant 40 : i32
      %mul3A_622 = arith.muli %sub3A_620, %mul3A_621 : i32
      %dma_wait3A_623 = tpu.memref_slice %arg8[%mul3A_622] : memref<10000xi32, #tpu.memory_space<vmem>> -> memref<40xi32, #tpu.memory_space<vmem>>
      %dma_wait3A_624 = arith.constant 0 : i32
      %dma_wait3A_625 = arith.constant 0 : i32
      %dma_wait3A_626 = tpu.memref_slice %arg2[%dma_wait3A_624, %dma_wait3A_625] : memref<10000x128xf32, #tpu.memory_space<hbm>> -> memref<10000x128xf32, #tpu.memory_space<hbm>>
      tpu.wait_indirect_dma semaphore(%arg20 : memref<!tpu.dma_semaphore, #tpu.memory_space<semaphore_mem>>) src(%dma_wait3A_626 : memref<10000x128xf32, #tpu.memory_space<hbm>>) dst(%arg14 : memref<40x128xf32, #tpu.memory_space<vmem>>)
      %mul3A_627 = arith.constant 40 : i32
      %mul3A_628 = arith.muli %sub3A_620, %mul3A_627 : i32
      %dma_start3A_629 = tpu.memref_slice %arg9[%mul3A_628] : memref<10000xi32, #tpu.memory_space<vmem>> -> memref<40xi32, #tpu.memory_space<vmem>>
      %dma_start3A_630 = arith.constant 0 : i32
      %dma_start3A_631 = arith.constant 0 : i32
      %dma_start3A_632 = tpu.memref_slice %arg7[%dma_start3A_630, %dma_start3A_631] : memref<10000x128xf32, #tpu.memory_space<vmem_shared>> -> memref<10000x128xf32, #tpu.memory_space<vmem_shared>>
      tpu.enqueue_indirect_dma source(%arg14 : memref<40x128xf32, #tpu.memory_space<vmem>>) target(%dma_start3A_632 : memref<10000x128xf32, #tpu.memory_space<vmem_shared>>) offsets(%dma_start3A_629 : memref<40xi32, #tpu.memory_space<vmem>>) semaphore(%arg26 : memref<!tpu.dma_semaphore, #tpu.memory_space<semaphore_mem>>) {add = true}
      %sub3A_633 = arith.constant 1 : i32
      %sub3A_634 = arith.subi %sub3A_620, %sub3A_633 : i32
      %mul3A_635 = arith.constant 40 : i32
      %mul3A_636 = arith.muli %sub3A_634, %mul3A_635 : i32
      %dma_wait3A_637 = tpu.memref_slice %arg9[%mul3A_636] : memref<10000xi32, #tpu.memory_space<vmem>> -> memref<40xi32, #tpu.memory_space<vmem>>
      %dma_wait3A_638 = arith.constant 0 : i32
      %dma_wait3A_639 = arith.constant 0 : i32
      %dma_wait3A_640 = tpu.memref_slice %arg7[%dma_wait3A_638, %dma_wait3A_639] : memref<10000x128xf32, #tpu.memory_space<vmem_shared>> -> memref<10000x128xf32, #tpu.memory_space<vmem_shared>>
      tpu.wait_indirect_dma semaphore(%arg25 : memref<!tpu.dma_semaphore, #tpu.memory_space<semaphore_mem>>) src(%arg13 : memref<40x128xf32, #tpu.memory_space<vmem>>) dst(%dma_wait3A_640 : memref<10000x128xf32, #tpu.memory_space<vmem_shared>>)
      %add3A_641 = arith.constant 6 : i32
      %add3A_642 = arith.addi %sub3A_620, %add3A_641 : i32
      %sub3A_643 = arith.constant 1 : i32
      %sub3A_644 = arith.subi %add3A_642, %sub3A_643 : i32
      %mul3A_645 = arith.constant 40 : i32
      %mul3A_646 = arith.muli %sub3A_644, %mul3A_645 : i32
      %dma_start3A_647 = tpu.memref_slice %arg8[%mul3A_646] : memref<10000xi32, #tpu.memory_space<vmem>> -> memref<40xi32, #tpu.memory_space<vmem>>
      %dma_start3A_648 = arith.constant 0 : i32
      %dma_start3A_649 = arith.constant 0 : i32
      %dma_start3A_650 = tpu.memref_slice %arg2[%dma_start3A_648, %dma_start3A_649] : memref<10000x128xf32, #tpu.memory_space<hbm>> -> memref<10000x128xf32, #tpu.memory_space<hbm>>
      tpu.enqueue_indirect_dma source(%dma_start3A_650 : memref<10000x128xf32, #tpu.memory_space<hbm>>) target(%arg13 : memref<40x128xf32, #tpu.memory_space<vmem>>) offsets(%dma_start3A_647 : memref<40xi32, #tpu.memory_space<vmem>>) semaphore(%arg19 : memref<!tpu.dma_semaphore, #tpu.memory_space<semaphore_mem>>)
    }
    %scan3A_147 = arith.constant 40 : i32
    %dma_wait3A_148 = arith.constant 9800 : i32
    %dma_wait3A_149 = tpu.memref_slice %arg8[%dma_wait3A_148] : memref<10000xi32, #tpu.memory_space<vmem>> -> memref<40xi32, #tpu.memory_space<vmem>>
    %dma_wait3A_150 = arith.constant 0 : i32
    %dma_wait3A_151 = arith.constant 0 : i32
    %dma_wait3A_152 = tpu.memref_slice %arg2[%dma_wait3A_150, %dma_wait3A_151] : memref<10000x128xf32, #tpu.memory_space<hbm>> -> memref<10000x128xf32, #tpu.memory_space<hbm>>
    tpu.wait_indirect_dma semaphore(%arg21 : memref<!tpu.dma_semaphore, #tpu.memory_space<semaphore_mem>>) src(%dma_wait3A_152 : memref<10000x128xf32, #tpu.memory_space<hbm>>) dst(%arg15 : memref<40x128xf32, #tpu.memory_space<vmem>>)
    %dma_start3A_153 = arith.constant 9800 : i32
    %dma_start3A_154 = tpu.memref_slice %arg9[%dma_start3A_153] : memref<10000xi32, #tpu.memory_space<vmem>> -> memref<40xi32, #tpu.memory_space<vmem>>
    %dma_start3A_155 = arith.constant 0 : i32
    %dma_start3A_156 = arith.constant 0 : i32
    %dma_start3A_157 = tpu.memref_slice %arg7[%dma_start3A_155, %dma_start3A_156] : memref<10000x128xf32, #tpu.memory_space<vmem_shared>> -> memref<10000x128xf32, #tpu.memory_space<vmem_shared>>
    tpu.enqueue_indirect_dma source(%arg15 : memref<40x128xf32, #tpu.memory_space<vmem>>) target(%dma_start3A_157 : memref<10000x128xf32, #tpu.memory_space<vmem_shared>>) offsets(%dma_start3A_154 : memref<40xi32, #tpu.memory_space<vmem>>) semaphore(%arg27 : memref<!tpu.dma_semaphore, #tpu.memory_space<semaphore_mem>>) {add = true}
    %dma_wait3A_158 = arith.constant 9760 : i32
    %dma_wait3A_159 = tpu.memref_slice %arg9[%dma_wait3A_158] : memref<10000xi32, #tpu.memory_space<vmem>> -> memref<40xi32, #tpu.memory_space<vmem>>
    %dma_wait3A_160 = arith.constant 0 : i32
    %dma_wait3A_161 = arith.constant 0 : i32
    %dma_wait3A_162 = tpu.memref_slice %arg7[%dma_wait3A_160, %dma_wait3A_161] : memref<10000x128xf32, #tpu.memory_space<vmem_shared>> -> memref<10000x128xf32, #tpu.memory_space<vmem_shared>>
    tpu.wait_indirect_dma semaphore(%arg26 : memref<!tpu.dma_semaphore, #tpu.memory_space<semaphore_mem>>) src(%arg14 : memref<40x128xf32, #tpu.memory_space<vmem>>) dst(%dma_wait3A_162 : memref<10000x128xf32, #tpu.memory_space<vmem_shared>>)
    %dma_start3A_163 = arith.constant 0 : i32
    %dma_start3A_164 = tpu.memref_slice %arg9[%dma_start3A_163] : memref<10000xi32, #tpu.memory_space<vmem>> -> memref<40xi32, #tpu.memory_space<vmem>>
    %dma_start3A_165 = arith.constant 0 : i32
    %dma_start3A_166 = arith.constant 0 : i32
    %dma_start3A_167 = tpu.memref_slice %arg2[%dma_start3A_165, %dma_start3A_166] : memref<10000x128xf32, #tpu.memory_space<hbm>> -> memref<10000x128xf32, #tpu.memory_space<hbm>>
    tpu.enqueue_indirect_dma source(%dma_start3A_167 : memref<10000x128xf32, #tpu.memory_space<hbm>>) target(%arg14 : memref<40x128xf32, #tpu.memory_space<vmem>>) offsets(%dma_start3A_164 : memref<40xi32, #tpu.memory_space<vmem>>) semaphore(%arg20 : memref<!tpu.dma_semaphore, #tpu.memory_space<semaphore_mem>>)
    %dma_wait3A_168 = arith.constant 9840 : i32
    %dma_wait3A_169 = tpu.memref_slice %arg8[%dma_wait3A_168] : memref<10000xi32, #tpu.memory_space<vmem>> -> memref<40xi32, #tpu.memory_space<vmem>>
    %dma_wait3A_170 = arith.constant 0 : i32
    %dma_wait3A_171 = arith.constant 0 : i32
    %dma_wait3A_172 = tpu.memref_slice %arg2[%dma_wait3A_170, %dma_wait3A_171] : memref<10000x128xf32, #tpu.memory_space<hbm>> -> memref<10000x128xf32, #tpu.memory_space<hbm>>
    tpu.wait_indirect_dma semaphore(%arg16 : memref<!tpu.dma_semaphore, #tpu.memory_space<semaphore_mem>>) src(%dma_wait3A_172 : memref<10000x128xf32, #tpu.memory_space<hbm>>) dst(%arg10 : memref<40x128xf32, #tpu.memory_space<vmem>>)
    %dma_start3A_173 = arith.constant 9840 : i32
    %dma_start3A_174 = tpu.memref_slice %arg9[%dma_start3A_173] : memref<10000xi32, #tpu.memory_space<vmem>> -> memref<40xi32, #tpu.memory_space<vmem>>
    %dma_start3A_175 = arith.constant 0 : i32
    %dma_start3A_176 = arith.constant 0 : i32
    %dma_start3A_177 = tpu.memref_slice %arg7[%dma_start3A_175, %dma_start3A_176] : memref<10000x128xf32, #tpu.memory_space<vmem_shared>> -> memref<10000x128xf32, #tpu.memory_space<vmem_shared>>
    tpu.enqueue_indirect_dma source(%arg10 : memref<40x128xf32, #tpu.memory_space<vmem>>) target(%dma_start3A_177 : memref<10000x128xf32, #tpu.memory_space<vmem_shared>>) offsets(%dma_start3A_174 : memref<40xi32, #tpu.memory_space<vmem>>) semaphore(%arg22 : memref<!tpu.dma_semaphore, #tpu.memory_space<semaphore_mem>>) {add = true}
    %dma_wait3A_178 = arith.constant 9800 : i32
    %dma_wait3A_179 = tpu.memref_slice %arg9[%dma_wait3A_178] : memref<10000xi32, #tpu.memory_space<vmem>> -> memref<40xi32, #tpu.memory_space<vmem>>
    %dma_wait3A_180 = arith.constant 0 : i32
    %dma_wait3A_181 = arith.constant 0 : i32
    %dma_wait3A_182 = tpu.memref_slice %arg7[%dma_wait3A_180, %dma_wait3A_181] : memref<10000x128xf32, #tpu.memory_space<vmem_shared>> -> memref<10000x128xf32, #tpu.memory_space<vmem_shared>>
    tpu.wait_indirect_dma semaphore(%arg27 : memref<!tpu.dma_semaphore, #tpu.memory_space<semaphore_mem>>) src(%arg15 : memref<40x128xf32, #tpu.memory_space<vmem>>) dst(%dma_wait3A_182 : memref<10000x128xf32, #tpu.memory_space<vmem_shared>>)
    %dma_start3A_183 = arith.constant 40 : i32
    %dma_start3A_184 = tpu.memref_slice %arg9[%dma_start3A_183] : memref<10000xi32, #tpu.memory_space<vmem>> -> memref<40xi32, #tpu.memory_space<vmem>>
    %dma_start3A_185 = arith.constant 0 : i32
    %dma_start3A_186 = arith.constant 0 : i32
    %dma_start3A_187 = tpu.memref_slice %arg2[%dma_start3A_185, %dma_start3A_186] : memref<10000x128xf32, #tpu.memory_space<hbm>> -> memref<10000x128xf32, #tpu.memory_space<hbm>>
    tpu.enqueue_indirect_dma source(%dma_start3A_187 : memref<10000x128xf32, #tpu.memory_space<hbm>>) target(%arg15 : memref<40x128xf32, #tpu.memory_space<vmem>>) offsets(%dma_start3A_184 : memref<40xi32, #tpu.memory_space<vmem>>) semaphore(%arg21 : memref<!tpu.dma_semaphore, #tpu.memory_space<semaphore_mem>>)
    %dma_wait3A_188 = arith.constant 9880 : i32
    %dma_wait3A_189 = tpu.memref_slice %arg8[%dma_wait3A_188] : memref<10000xi32, #tpu.memory_space<vmem>> -> memref<40xi32, #tpu.memory_space<vmem>>
    %dma_wait3A_190 = arith.constant 0 : i32
    %dma_wait3A_191 = arith.constant 0 : i32
    %dma_wait3A_192 = tpu.memref_slice %arg2[%dma_wait3A_190, %dma_wait3A_191] : memref<10000x128xf32, #tpu.memory_space<hbm>> -> memref<10000x128xf32, #tpu.memory_space<hbm>>
    tpu.wait_indirect_dma semaphore(%arg17 : memref<!tpu.dma_semaphore, #tpu.memory_space<semaphore_mem>>) src(%dma_wait3A_192 : memref<10000x128xf32, #tpu.memory_space<hbm>>) dst(%arg11 : memref<40x128xf32, #tpu.memory_space<vmem>>)
    %dma_start3A_193 = arith.constant 9880 : i32
    %dma_start3A_194 = tpu.memref_slice %arg9[%dma_start3A_193] : memref<10000xi32, #tpu.memory_space<vmem>> -> memref<40xi32, #tpu.memory_space<vmem>>
    %dma_start3A_195 = arith.constant 0 : i32
    %dma_start3A_196 = arith.constant 0 : i32
    %dma_start3A_197 = tpu.memref_slice %arg7[%dma_start3A_195, %dma_start3A_196] : memref<10000x128xf32, #tpu.memory_space<vmem_shared>> -> memref<10000x128xf32, #tpu.memory_space<vmem_shared>>
    tpu.enqueue_indirect_dma source(%arg11 : memref<40x128xf32, #tpu.memory_space<vmem>>) target(%dma_start3A_197 : memref<10000x128xf32, #tpu.memory_space<vmem_shared>>) offsets(%dma_start3A_194 : memref<40xi32, #tpu.memory_space<vmem>>) semaphore(%arg23 : memref<!tpu.dma_semaphore, #tpu.memory_space<semaphore_mem>>) {add = true}
    %dma_wait3A_198 = arith.constant 9840 : i32
    %dma_wait3A_199 = tpu.memref_slice %arg9[%dma_wait3A_198] : memref<10000xi32, #tpu.memory_space<vmem>> -> memref<40xi32, #tpu.memory_space<vmem>>
    %dma_wait3A_200 = arith.constant 0 : i32
    %dma_wait3A_201 = arith.constant 0 : i32
    %dma_wait3A_202 = tpu.memref_slice %arg7[%dma_wait3A_200, %dma_wait3A_201] : memref<10000x128xf32, #tpu.memory_space<vmem_shared>> -> memref<10000x128xf32, #tpu.memory_space<vmem_shared>>
    tpu.wait_indirect_dma semaphore(%arg22 : memref<!tpu.dma_semaphore, #tpu.memory_space<semaphore_mem>>) src(%arg10 : memref<40x128xf32, #tpu.memory_space<vmem>>) dst(%dma_wait3A_202 : memref<10000x128xf32, #tpu.memory_space<vmem_shared>>)
    %dma_start3A_203 = arith.constant 80 : i32
    %dma_start3A_204 = tpu.memref_slice %arg9[%dma_start3A_203] : memref<10000xi32, #tpu.memory_space<vmem>> -> memref<40xi32, #tpu.memory_space<vmem>>
    %dma_start3A_205 = arith.constant 0 : i32
    %dma_start3A_206 = arith.constant 0 : i32
    %dma_start3A_207 = tpu.memref_slice %arg2[%dma_start3A_205, %dma_start3A_206] : memref<10000x128xf32, #tpu.memory_space<hbm>> -> memref<10000x128xf32, #tpu.memory_space<hbm>>
    tpu.enqueue_indirect_dma source(%dma_start3A_207 : memref<10000x128xf32, #tpu.memory_space<hbm>>) target(%arg10 : memref<40x128xf32, #tpu.memory_space<vmem>>) offsets(%dma_start3A_204 : memref<40xi32, #tpu.memory_space<vmem>>) semaphore(%arg16 : memref<!tpu.dma_semaphore, #tpu.memory_space<semaphore_mem>>)
    %dma_wait3A_208 = arith.constant 9920 : i32
    %dma_wait3A_209 = tpu.memref_slice %arg8[%dma_wait3A_208] : memref<10000xi32, #tpu.memory_space<vmem>> -> memref<40xi32, #tpu.memory_space<vmem>>
    %dma_wait3A_210 = arith.constant 0 : i32
    %dma_wait3A_211 = arith.constant 0 : i32
    %dma_wait3A_212 = tpu.memref_slice %arg2[%dma_wait3A_210, %dma_wait3A_211] : memref<10000x128xf32, #tpu.memory_space<hbm>> -> memref<10000x128xf32, #tpu.memory_space<hbm>>
    tpu.wait_indirect_dma semaphore(%arg18 : memref<!tpu.dma_semaphore, #tpu.memory_space<semaphore_mem>>) src(%dma_wait3A_212 : memref<10000x128xf32, #tpu.memory_space<hbm>>) dst(%arg12 : memref<40x128xf32, #tpu.memory_space<vmem>>)
    %dma_start3A_213 = arith.constant 9920 : i32
    %dma_start3A_214 = tpu.memref_slice %arg9[%dma_start3A_213] : memref<10000xi32, #tpu.memory_space<vmem>> -> memref<40xi32, #tpu.memory_space<vmem>>
    %dma_start3A_215 = arith.constant 0 : i32
    %dma_start3A_216 = arith.constant 0 : i32
    %dma_start3A_217 = tpu.memref_slice %arg7[%dma_start3A_215, %dma_start3A_216] : memref<10000x128xf32, #tpu.memory_space<vmem_shared>> -> memref<10000x128xf32, #tpu.memory_space<vmem_shared>>
    tpu.enqueue_indirect_dma source(%arg12 : memref<40x128xf32, #tpu.memory_space<vmem>>) target(%dma_start3A_217 : memref<10000x128xf32, #tpu.memory_space<vmem_shared>>) offsets(%dma_start3A_214 : memref<40xi32, #tpu.memory_space<vmem>>) semaphore(%arg24 : memref<!tpu.dma_semaphore, #tpu.memory_space<semaphore_mem>>) {add = true}
    %dma_wait3A_218 = arith.constant 9880 : i32
    %dma_wait3A_219 = tpu.memref_slice %arg9[%dma_wait3A_218] : memref<10000xi32, #tpu.memory_space<vmem>> -> memref<40xi32, #tpu.memory_space<vmem>>
    %dma_wait3A_220 = arith.constant 0 : i32
    %dma_wait3A_221 = arith.constant 0 : i32
    %dma_wait3A_222 = tpu.memref_slice %arg7[%dma_wait3A_220, %dma_wait3A_221] : memref<10000x128xf32, #tpu.memory_space<vmem_shared>> -> memref<10000x128xf32, #tpu.memory_space<vmem_shared>>
    tpu.wait_indirect_dma semaphore(%arg23 : memref<!tpu.dma_semaphore, #tpu.memory_space<semaphore_mem>>) src(%arg11 : memref<40x128xf32, #tpu.memory_space<vmem>>) dst(%dma_wait3A_222 : memref<10000x128xf32, #tpu.memory_space<vmem_shared>>)
    %dma_start3A_223 = arith.constant 120 : i32
    %dma_start3A_224 = tpu.memref_slice %arg9[%dma_start3A_223] : memref<10000xi32, #tpu.memory_space<vmem>> -> memref<40xi32, #tpu.memory_space<vmem>>
    %dma_start3A_225 = arith.constant 0 : i32
    %dma_start3A_226 = arith.constant 0 : i32
    %dma_start3A_227 = tpu.memref_slice %arg2[%dma_start3A_225, %dma_start3A_226] : memref<10000x128xf32, #tpu.memory_space<hbm>> -> memref<10000x128xf32, #tpu.memory_space<hbm>>
    tpu.enqueue_indirect_dma source(%dma_start3A_227 : memref<10000x128xf32, #tpu.memory_space<hbm>>) target(%arg11 : memref<40x128xf32, #tpu.memory_space<vmem>>) offsets(%dma_start3A_224 : memref<40xi32, #tpu.memory_space<vmem>>) semaphore(%arg17 : memref<!tpu.dma_semaphore, #tpu.memory_space<semaphore_mem>>)
    %dma_wait3A_228 = arith.constant 9960 : i32
    %dma_wait3A_229 = tpu.memref_slice %arg8[%dma_wait3A_228] : memref<10000xi32, #tpu.memory_space<vmem>> -> memref<40xi32, #tpu.memory_space<vmem>>
    %dma_wait3A_230 = arith.constant 0 : i32
    %dma_wait3A_231 = arith.constant 0 : i32
    %dma_wait3A_232 = tpu.memref_slice %arg2[%dma_wait3A_230, %dma_wait3A_231] : memref<10000x128xf32, #tpu.memory_space<hbm>> -> memref<10000x128xf32, #tpu.memory_space<hbm>>
    tpu.wait_indirect_dma semaphore(%arg19 : memref<!tpu.dma_semaphore, #tpu.memory_space<semaphore_mem>>) src(%dma_wait3A_232 : memref<10000x128xf32, #tpu.memory_space<hbm>>) dst(%arg13 : memref<40x128xf32, #tpu.memory_space<vmem>>)
    %dma_start3A_233 = arith.constant 9960 : i32
    %dma_start3A_234 = tpu.memref_slice %arg9[%dma_start3A_233] : memref<10000xi32, #tpu.memory_space<vmem>> -> memref<40xi32, #tpu.memory_space<vmem>>
    %dma_start3A_235 = arith.constant 0 : i32
    %dma_start3A_236 = arith.constant 0 : i32
    %dma_start3A_237 = tpu.memref_slice %arg7[%dma_start3A_235, %dma_start3A_236] : memref<10000x128xf32, #tpu.memory_space<vmem_shared>> -> memref<10000x128xf32, #tpu.memory_space<vmem_shared>>
    tpu.enqueue_indirect_dma source(%arg13 : memref<40x128xf32, #tpu.memory_space<vmem>>) target(%dma_start3A_237 : memref<10000x128xf32, #tpu.memory_space<vmem_shared>>) offsets(%dma_start3A_234 : memref<40xi32, #tpu.memory_space<vmem>>) semaphore(%arg25 : memref<!tpu.dma_semaphore, #tpu.memory_space<semaphore_mem>>) {add = true}
    %dma_wait3A_238 = arith.constant 9920 : i32
    %dma_wait3A_239 = tpu.memref_slice %arg9[%dma_wait3A_238] : memref<10000xi32, #tpu.memory_space<vmem>> -> memref<40xi32, #tpu.memory_space<vmem>>
    %dma_wait3A_240 = arith.constant 0 : i32
    %dma_wait3A_241 = arith.constant 0 : i32
    %dma_wait3A_242 = tpu.memref_slice %arg7[%dma_wait3A_240, %dma_wait3A_241] : memref<10000x128xf32, #tpu.memory_space<vmem_shared>> -> memref<10000x128xf32, #tpu.memory_space<vmem_shared>>
    tpu.wait_indirect_dma semaphore(%arg24 : memref<!tpu.dma_semaphore, #tpu.memory_space<semaphore_mem>>) src(%arg12 : memref<40x128xf32, #tpu.memory_space<vmem>>) dst(%dma_wait3A_242 : memref<10000x128xf32, #tpu.memory_space<vmem_shared>>)
    %dma_start3A_243 = arith.constant 160 : i32
    %dma_start3A_244 = tpu.memref_slice %arg9[%dma_start3A_243] : memref<10000xi32, #tpu.memory_space<vmem>> -> memref<40xi32, #tpu.memory_space<vmem>>
    %dma_start3A_245 = arith.constant 0 : i32
    %dma_start3A_246 = arith.constant 0 : i32
    %dma_start3A_247 = tpu.memref_slice %arg2[%dma_start3A_245, %dma_start3A_246] : memref<10000x128xf32, #tpu.memory_space<hbm>> -> memref<10000x128xf32, #tpu.memory_space<hbm>>
    tpu.enqueue_indirect_dma source(%dma_start3A_247 : memref<10000x128xf32, #tpu.memory_space<hbm>>) target(%arg12 : memref<40x128xf32, #tpu.memory_space<vmem>>) offsets(%dma_start3A_244 : memref<40xi32, #tpu.memory_space<vmem>>) semaphore(%arg18 : memref<!tpu.dma_semaphore, #tpu.memory_space<semaphore_mem>>)
    %dma_wait3A_248 = arith.constant 0 : i32
    %dma_wait3A_249 = tpu.memref_slice %arg9[%dma_wait3A_248] : memref<10000xi32, #tpu.memory_space<vmem>> -> memref<40xi32, #tpu.memory_space<vmem>>
    %dma_wait3A_250 = arith.constant 0 : i32
    %dma_wait3A_251 = arith.constant 0 : i32
    %dma_wait3A_252 = tpu.memref_slice %arg2[%dma_wait3A_250, %dma_wait3A_251] : memref<10000x128xf32, #tpu.memory_space<hbm>> -> memref<10000x128xf32, #tpu.memory_space<hbm>>
    tpu.wait_indirect_dma semaphore(%arg20 : memref<!tpu.dma_semaphore, #tpu.memory_space<semaphore_mem>>) src(%dma_wait3A_252 : memref<10000x128xf32, #tpu.memory_space<hbm>>) dst(%arg14 : memref<40x128xf32, #tpu.memory_space<vmem>>)
    %dma_start3A_253 = arith.constant 0 : i32
    %dma_start3A_254 = tpu.memref_slice %arg8[%dma_start3A_253] : memref<10000xi32, #tpu.memory_space<vmem>> -> memref<40xi32, #tpu.memory_space<vmem>>
    %dma_start3A_255 = arith.constant 0 : i32
    %dma_start3A_256 = arith.constant 0 : i32
    %dma_start3A_257 = tpu.memref_slice %arg7[%dma_start3A_255, %dma_start3A_256] : memref<10000x128xf32, #tpu.memory_space<vmem_shared>> -> memref<10000x128xf32, #tpu.memory_space<vmem_shared>>
    tpu.enqueue_indirect_dma source(%arg14 : memref<40x128xf32, #tpu.memory_space<vmem>>) target(%dma_start3A_257 : memref<10000x128xf32, #tpu.memory_space<vmem_shared>>) offsets(%dma_start3A_254 : memref<40xi32, #tpu.memory_space<vmem>>) semaphore(%arg26 : memref<!tpu.dma_semaphore, #tpu.memory_space<semaphore_mem>>) {add = true}
    %dma_wait3A_258 = arith.constant 9960 : i32
    %dma_wait3A_259 = tpu.memref_slice %arg9[%dma_wait3A_258] : memref<10000xi32, #tpu.memory_space<vmem>> -> memref<40xi32, #tpu.memory_space<vmem>>
    %dma_wait3A_260 = arith.constant 0 : i32
    %dma_wait3A_261 = arith.constant 0 : i32
    %dma_wait3A_262 = tpu.memref_slice %arg7[%dma_wait3A_260, %dma_wait3A_261] : memref<10000x128xf32, #tpu.memory_space<vmem_shared>> -> memref<10000x128xf32, #tpu.memory_space<vmem_shared>>
    tpu.wait_indirect_dma semaphore(%arg25 : memref<!tpu.dma_semaphore, #tpu.memory_space<semaphore_mem>>) src(%arg13 : memref<40x128xf32, #tpu.memory_space<vmem>>) dst(%dma_wait3A_262 : memref<10000x128xf32, #tpu.memory_space<vmem_shared>>)
    %dma_start3A_263 = arith.constant 200 : i32
    %dma_start3A_264 = tpu.memref_slice %arg9[%dma_start3A_263] : memref<10000xi32, #tpu.memory_space<vmem>> -> memref<40xi32, #tpu.memory_space<vmem>>
    %dma_start3A_265 = arith.constant 0 : i32
    %dma_start3A_266 = arith.constant 0 : i32
    %dma_start3A_267 = tpu.memref_slice %arg2[%dma_start3A_265, %dma_start3A_266] : memref<10000x128xf32, #tpu.memory_space<hbm>> -> memref<10000x128xf32, #tpu.memory_space<hbm>>
    tpu.enqueue_indirect_dma source(%dma_start3A_267 : memref<10000x128xf32, #tpu.memory_space<hbm>>) target(%arg13 : memref<40x128xf32, #tpu.memory_space<vmem>>) offsets(%dma_start3A_264 : memref<40xi32, #tpu.memory_space<vmem>>) semaphore(%arg19 : memref<!tpu.dma_semaphore, #tpu.memory_space<semaphore_mem>>)
    %dma_wait3A_268 = arith.constant 40 : i32
    %dma_wait3A_269 = tpu.memref_slice %arg9[%dma_wait3A_268] : memref<10000xi32, #tpu.memory_space<vmem>> -> memref<40xi32, #tpu.memory_space<vmem>>
    %dma_wait3A_270 = arith.constant 0 : i32
    %dma_wait3A_271 = arith.constant 0 : i32
    %dma_wait3A_272 = tpu.memref_slice %arg2[%dma_wait3A_270, %dma_wait3A_271] : memref<10000x128xf32, #tpu.memory_space<hbm>> -> memref<10000x128xf32, #tpu.memory_space<hbm>>
    tpu.wait_indirect_dma semaphore(%arg21 : memref<!tpu.dma_semaphore, #tpu.memory_space<semaphore_mem>>) src(%dma_wait3A_272 : memref<10000x128xf32, #tpu.memory_space<hbm>>) dst(%arg15 : memref<40x128xf32, #tpu.memory_space<vmem>>)
    %dma_start3A_273 = arith.constant 40 : i32
    %dma_start3A_274 = tpu.memref_slice %arg8[%dma_start3A_273] : memref<10000xi32, #tpu.memory_space<vmem>> -> memref<40xi32, #tpu.memory_space<vmem>>
    %dma_start3A_275 = arith.constant 0 : i32
    %dma_start3A_276 = arith.constant 0 : i32
    %dma_start3A_277 = tpu.memref_slice %arg7[%dma_start3A_275, %dma_start3A_276] : memref<10000x128xf32, #tpu.memory_space<vmem_shared>> -> memref<10000x128xf32, #tpu.memory_space<vmem_shared>>
    tpu.enqueue_indirect_dma source(%arg15 : memref<40x128xf32, #tpu.memory_space<vmem>>) target(%dma_start3A_277 : memref<10000x128xf32, #tpu.memory_space<vmem_shared>>) offsets(%dma_start3A_274 : memref<40xi32, #tpu.memory_space<vmem>>) semaphore(%arg27 : memref<!tpu.dma_semaphore, #tpu.memory_space<semaphore_mem>>) {add = true}
    %dma_wait3A_278 = arith.constant 0 : i32
    %dma_wait3A_279 = tpu.memref_slice %arg8[%dma_wait3A_278] : memref<10000xi32, #tpu.memory_space<vmem>> -> memref<40xi32, #tpu.memory_space<vmem>>
    %dma_wait3A_280 = arith.constant 0 : i32
    %dma_wait3A_281 = arith.constant 0 : i32
    %dma_wait3A_282 = tpu.memref_slice %arg7[%dma_wait3A_280, %dma_wait3A_281] : memref<10000x128xf32, #tpu.memory_space<vmem_shared>> -> memref<10000x128xf32, #tpu.memory_space<vmem_shared>>
    tpu.wait_indirect_dma semaphore(%arg26 : memref<!tpu.dma_semaphore, #tpu.memory_space<semaphore_mem>>) src(%arg14 : memref<40x128xf32, #tpu.memory_space<vmem>>) dst(%dma_wait3A_282 : memref<10000x128xf32, #tpu.memory_space<vmem_shared>>)
    %dma_start3A_283 = arith.constant 240 : i32
    %dma_start3A_284 = tpu.memref_slice %arg9[%dma_start3A_283] : memref<10000xi32, #tpu.memory_space<vmem>> -> memref<40xi32, #tpu.memory_space<vmem>>
    %dma_start3A_285 = arith.constant 0 : i32
    %dma_start3A_286 = arith.constant 0 : i32
    %dma_start3A_287 = tpu.memref_slice %arg2[%dma_start3A_285, %dma_start3A_286] : memref<10000x128xf32, #tpu.memory_space<hbm>> -> memref<10000x128xf32, #tpu.memory_space<hbm>>
    tpu.enqueue_indirect_dma source(%dma_start3A_287 : memref<10000x128xf32, #tpu.memory_space<hbm>>) target(%arg14 : memref<40x128xf32, #tpu.memory_space<vmem>>) offsets(%dma_start3A_284 : memref<40xi32, #tpu.memory_space<vmem>>) semaphore(%arg20 : memref<!tpu.dma_semaphore, #tpu.memory_space<semaphore_mem>>)
    %dma_wait3A_288 = arith.constant 80 : i32
    %dma_wait3A_289 = tpu.memref_slice %arg9[%dma_wait3A_288] : memref<10000xi32, #tpu.memory_space<vmem>> -> memref<40xi32, #tpu.memory_space<vmem>>
    %dma_wait3A_290 = arith.constant 0 : i32
    %dma_wait3A_291 = arith.constant 0 : i32
    %dma_wait3A_292 = tpu.memref_slice %arg2[%dma_wait3A_290, %dma_wait3A_291] : memref<10000x128xf32, #tpu.memory_space<hbm>> -> memref<10000x128xf32, #tpu.memory_space<hbm>>
    tpu.wait_indirect_dma semaphore(%arg16 : memref<!tpu.dma_semaphore, #tpu.memory_space<semaphore_mem>>) src(%dma_wait3A_292 : memref<10000x128xf32, #tpu.memory_space<hbm>>) dst(%arg10 : memref<40x128xf32, #tpu.memory_space<vmem>>)
    %dma_start3A_293 = arith.constant 80 : i32
    %dma_start3A_294 = tpu.memref_slice %arg8[%dma_start3A_293] : memref<10000xi32, #tpu.memory_space<vmem>> -> memref<40xi32, #tpu.memory_space<vmem>>
    %dma_start3A_295 = arith.constant 0 : i32
    %dma_start3A_296 = arith.constant 0 : i32
    %dma_start3A_297 = tpu.memref_slice %arg7[%dma_start3A_295, %dma_start3A_296] : memref<10000x128xf32, #tpu.memory_space<vmem_shared>> -> memref<10000x128xf32, #tpu.memory_space<vmem_shared>>
    tpu.enqueue_indirect_dma source(%arg10 : memref<40x128xf32, #tpu.memory_space<vmem>>) target(%dma_start3A_297 : memref<10000x128xf32, #tpu.memory_space<vmem_shared>>) offsets(%dma_start3A_294 : memref<40xi32, #tpu.memory_space<vmem>>) semaphore(%arg22 : memref<!tpu.dma_semaphore, #tpu.memory_space<semaphore_mem>>) {add = true}
    %dma_wait3A_298 = arith.constant 40 : i32
    %dma_wait3A_299 = tpu.memref_slice %arg8[%dma_wait3A_298] : memref<10000xi32, #tpu.memory_space<vmem>> -> memref<40xi32, #tpu.memory_space<vmem>>
    %dma_wait3A_300 = arith.constant 0 : i32
    %dma_wait3A_301 = arith.constant 0 : i32
    %dma_wait3A_302 = tpu.memref_slice %arg7[%dma_wait3A_300, %dma_wait3A_301] : memref<10000x128xf32, #tpu.memory_space<vmem_shared>> -> memref<10000x128xf32, #tpu.memory_space<vmem_shared>>
    tpu.wait_indirect_dma semaphore(%arg27 : memref<!tpu.dma_semaphore, #tpu.memory_space<semaphore_mem>>) src(%arg15 : memref<40x128xf32, #tpu.memory_space<vmem>>) dst(%dma_wait3A_302 : memref<10000x128xf32, #tpu.memory_space<vmem_shared>>)
    %dma_start3A_303 = arith.constant 280 : i32
    %dma_start3A_304 = tpu.memref_slice %arg9[%dma_start3A_303] : memref<10000xi32, #tpu.memory_space<vmem>> -> memref<40xi32, #tpu.memory_space<vmem>>
    %dma_start3A_305 = arith.constant 0 : i32
    %dma_start3A_306 = arith.constant 0 : i32
    %dma_start3A_307 = tpu.memref_slice %arg2[%dma_start3A_305, %dma_start3A_306] : memref<10000x128xf32, #tpu.memory_space<hbm>> -> memref<10000x128xf32, #tpu.memory_space<hbm>>
    tpu.enqueue_indirect_dma source(%dma_start3A_307 : memref<10000x128xf32, #tpu.memory_space<hbm>>) target(%arg15 : memref<40x128xf32, #tpu.memory_space<vmem>>) offsets(%dma_start3A_304 : memref<40xi32, #tpu.memory_space<vmem>>) semaphore(%arg21 : memref<!tpu.dma_semaphore, #tpu.memory_space<semaphore_mem>>)
    %dma_wait3A_308 = arith.constant 120 : i32
    %dma_wait3A_309 = tpu.memref_slice %arg9[%dma_wait3A_308] : memref<10000xi32, #tpu.memory_space<vmem>> -> memref<40xi32, #tpu.memory_space<vmem>>
    %dma_wait3A_310 = arith.constant 0 : i32
    %dma_wait3A_311 = arith.constant 0 : i32
    %dma_wait3A_312 = tpu.memref_slice %arg2[%dma_wait3A_310, %dma_wait3A_311] : memref<10000x128xf32, #tpu.memory_space<hbm>> -> memref<10000x128xf32, #tpu.memory_space<hbm>>
    tpu.wait_indirect_dma semaphore(%arg17 : memref<!tpu.dma_semaphore, #tpu.memory_space<semaphore_mem>>) src(%dma_wait3A_312 : memref<10000x128xf32, #tpu.memory_space<hbm>>) dst(%arg11 : memref<40x128xf32, #tpu.memory_space<vmem>>)
    %dma_start3A_313 = arith.constant 120 : i32
    %dma_start3A_314 = tpu.memref_slice %arg8[%dma_start3A_313] : memref<10000xi32, #tpu.memory_space<vmem>> -> memref<40xi32, #tpu.memory_space<vmem>>
    %dma_start3A_315 = arith.constant 0 : i32
    %dma_start3A_316 = arith.constant 0 : i32
    %dma_start3A_317 = tpu.memref_slice %arg7[%dma_start3A_315, %dma_start3A_316] : memref<10000x128xf32, #tpu.memory_space<vmem_shared>> -> memref<10000x128xf32, #tpu.memory_space<vmem_shared>>
    tpu.enqueue_indirect_dma source(%arg11 : memref<40x128xf32, #tpu.memory_space<vmem>>) target(%dma_start3A_317 : memref<10000x128xf32, #tpu.memory_space<vmem_shared>>) offsets(%dma_start3A_314 : memref<40xi32, #tpu.memory_space<vmem>>) semaphore(%arg23 : memref<!tpu.dma_semaphore, #tpu.memory_space<semaphore_mem>>) {add = true}
    %dma_wait3A_318 = arith.constant 80 : i32
    %dma_wait3A_319 = tpu.memref_slice %arg8[%dma_wait3A_318] : memref<10000xi32, #tpu.memory_space<vmem>> -> memref<40xi32, #tpu.memory_space<vmem>>
    %dma_wait3A_320 = arith.constant 0 : i32
    %dma_wait3A_321 = arith.constant 0 : i32
    %dma_wait3A_322 = tpu.memref_slice %arg7[%dma_wait3A_320, %dma_wait3A_321] : memref<10000x128xf32, #tpu.memory_space<vmem_shared>> -> memref<10000x128xf32, #tpu.memory_space<vmem_shared>>
    tpu.wait_indirect_dma semaphore(%arg22 : memref<!tpu.dma_semaphore, #tpu.memory_space<semaphore_mem>>) src(%arg10 : memref<40x128xf32, #tpu.memory_space<vmem>>) dst(%dma_wait3A_322 : memref<10000x128xf32, #tpu.memory_space<vmem_shared>>)
    %dma_start3A_323 = arith.constant 320 : i32
    %dma_start3A_324 = tpu.memref_slice %arg9[%dma_start3A_323] : memref<10000xi32, #tpu.memory_space<vmem>> -> memref<40xi32, #tpu.memory_space<vmem>>
    %dma_start3A_325 = arith.constant 0 : i32
    %dma_start3A_326 = arith.constant 0 : i32
    %dma_start3A_327 = tpu.memref_slice %arg2[%dma_start3A_325, %dma_start3A_326] : memref<10000x128xf32, #tpu.memory_space<hbm>> -> memref<10000x128xf32, #tpu.memory_space<hbm>>
    tpu.enqueue_indirect_dma source(%dma_start3A_327 : memref<10000x128xf32, #tpu.memory_space<hbm>>) target(%arg10 : memref<40x128xf32, #tpu.memory_space<vmem>>) offsets(%dma_start3A_324 : memref<40xi32, #tpu.memory_space<vmem>>) semaphore(%arg16 : memref<!tpu.dma_semaphore, #tpu.memory_space<semaphore_mem>>)
    %dma_wait3A_328 = arith.constant 160 : i32
    %dma_wait3A_329 = tpu.memref_slice %arg9[%dma_wait3A_328] : memref<10000xi32, #tpu.memory_space<vmem>> -> memref<40xi32, #tpu.memory_space<vmem>>
    %dma_wait3A_330 = arith.constant 0 : i32
    %dma_wait3A_331 = arith.constant 0 : i32
    %dma_wait3A_332 = tpu.memref_slice %arg2[%dma_wait3A_330, %dma_wait3A_331] : memref<10000x128xf32, #tpu.memory_space<hbm>> -> memref<10000x128xf32, #tpu.memory_space<hbm>>
    tpu.wait_indirect_dma semaphore(%arg18 : memref<!tpu.dma_semaphore, #tpu.memory_space<semaphore_mem>>) src(%dma_wait3A_332 : memref<10000x128xf32, #tpu.memory_space<hbm>>) dst(%arg12 : memref<40x128xf32, #tpu.memory_space<vmem>>)
    %dma_start3A_333 = arith.constant 160 : i32
    %dma_start3A_334 = tpu.memref_slice %arg8[%dma_start3A_333] : memref<10000xi32, #tpu.memory_space<vmem>> -> memref<40xi32, #tpu.memory_space<vmem>>
    %dma_start3A_335 = arith.constant 0 : i32
    %dma_start3A_336 = arith.constant 0 : i32
    %dma_start3A_337 = tpu.memref_slice %arg7[%dma_start3A_335, %dma_start3A_336] : memref<10000x128xf32, #tpu.memory_space<vmem_shared>> -> memref<10000x128xf32, #tpu.memory_space<vmem_shared>>
    tpu.enqueue_indirect_dma source(%arg12 : memref<40x128xf32, #tpu.memory_space<vmem>>) target(%dma_start3A_337 : memref<10000x128xf32, #tpu.memory_space<vmem_shared>>) offsets(%dma_start3A_334 : memref<40xi32, #tpu.memory_space<vmem>>) semaphore(%arg24 : memref<!tpu.dma_semaphore, #tpu.memory_space<semaphore_mem>>) {add = true}
    %dma_wait3A_338 = arith.constant 120 : i32
    %dma_wait3A_339 = tpu.memref_slice %arg8[%dma_wait3A_338] : memref<10000xi32, #tpu.memory_space<vmem>> -> memref<40xi32, #tpu.memory_space<vmem>>
    %dma_wait3A_340 = arith.constant 0 : i32
    %dma_wait3A_341 = arith.constant 0 : i32
    %dma_wait3A_342 = tpu.memref_slice %arg7[%dma_wait3A_340, %dma_wait3A_341] : memref<10000x128xf32, #tpu.memory_space<vmem_shared>> -> memref<10000x128xf32, #tpu.memory_space<vmem_shared>>
    tpu.wait_indirect_dma semaphore(%arg23 : memref<!tpu.dma_semaphore, #tpu.memory_space<semaphore_mem>>) src(%arg11 : memref<40x128xf32, #tpu.memory_space<vmem>>) dst(%dma_wait3A_342 : memref<10000x128xf32, #tpu.memory_space<vmem_shared>>)
    %dma_start3A_343 = arith.constant 360 : i32
    %dma_start3A_344 = tpu.memref_slice %arg9[%dma_start3A_343] : memref<10000xi32, #tpu.memory_space<vmem>> -> memref<40xi32, #tpu.memory_space<vmem>>
    %dma_start3A_345 = arith.constant 0 : i32
    %dma_start3A_346 = arith.constant 0 : i32
    %dma_start3A_347 = tpu.memref_slice %arg2[%dma_start3A_345, %dma_start3A_346] : memref<10000x128xf32, #tpu.memory_space<hbm>> -> memref<10000x128xf32, #tpu.memory_space<hbm>>
    tpu.enqueue_indirect_dma source(%dma_start3A_347 : memref<10000x128xf32, #tpu.memory_space<hbm>>) target(%arg11 : memref<40x128xf32, #tpu.memory_space<vmem>>) offsets(%dma_start3A_344 : memref<40xi32, #tpu.memory_space<vmem>>) semaphore(%arg17 : memref<!tpu.dma_semaphore, #tpu.memory_space<semaphore_mem>>)
    %scan3A_348 = arith.constant 0 : i32
    %scan3A_349 = arith.constant 0 : i32
    %scan3A_350 = arith.constant 40 : i32
    %scan3A_351 = arith.addi %scan3A_349, %scan3A_350 : i32
    %scan3A_352 = arith.constant 1 : i32
    scf.for %scan3A_443 = %scan3A_349 to %scan3A_351 step %scan3A_352  : i32 {
      %mul3A_444 = arith.constant 6 : i32
      %mul3A_445 = arith.muli %mul3A_444, %scan3A_443 : i32
      %add3A_446 = arith.constant 255 : i32
      %add3A_447 = arith.addi %add3A_446, %mul3A_445 : i32
      %add3A_448 = arith.constant 0 : i32
      %add3A_449 = arith.addi %add3A_447, %add3A_448 : i32
      %sub3A = arith.constant 250 : i32
      %sub3A_450 = arith.subi %add3A_449, %sub3A : i32
      %mul3A_451 = arith.constant 40 : i32
      %mul3A_452 = arith.muli %sub3A_450, %mul3A_451 : i32
      %dma_wait3A_453 = tpu.memref_slice %arg9[%mul3A_452] : memref<10000xi32, #tpu.memory_space<vmem>> -> memref<40xi32, #tpu.memory_space<vmem>>
      %dma_wait3A_454 = arith.constant 0 : i32
      %dma_wait3A_455 = arith.constant 0 : i32
      %dma_wait3A_456 = tpu.memref_slice %arg2[%dma_wait3A_454, %dma_wait3A_455] : memref<10000x128xf32, #tpu.memory_space<hbm>> -> memref<10000x128xf32, #tpu.memory_space<hbm>>
      tpu.wait_indirect_dma semaphore(%arg19 : memref<!tpu.dma_semaphore, #tpu.memory_space<semaphore_mem>>) src(%dma_wait3A_456 : memref<10000x128xf32, #tpu.memory_space<hbm>>) dst(%arg13 : memref<40x128xf32, #tpu.memory_space<vmem>>)
      %mul3A_457 = arith.constant 40 : i32
      %mul3A_458 = arith.muli %sub3A_450, %mul3A_457 : i32
      %dma_start3A_459 = tpu.memref_slice %arg8[%mul3A_458] : memref<10000xi32, #tpu.memory_space<vmem>> -> memref<40xi32, #tpu.memory_space<vmem>>
      %dma_start3A_460 = arith.constant 0 : i32
      %dma_start3A_461 = arith.constant 0 : i32
      %dma_start3A_462 = tpu.memref_slice %arg7[%dma_start3A_460, %dma_start3A_461] : memref<10000x128xf32, #tpu.memory_space<vmem_shared>> -> memref<10000x128xf32, #tpu.memory_space<vmem_shared>>
      tpu.enqueue_indirect_dma source(%arg13 : memref<40x128xf32, #tpu.memory_space<vmem>>) target(%dma_start3A_462 : memref<10000x128xf32, #tpu.memory_space<vmem_shared>>) offsets(%dma_start3A_459 : memref<40xi32, #tpu.memory_space<vmem>>) semaphore(%arg25 : memref<!tpu.dma_semaphore, #tpu.memory_space<semaphore_mem>>) {add = true}
      %sub3A_463 = arith.constant 1 : i32
      %sub3A_464 = arith.subi %sub3A_450, %sub3A_463 : i32
      %mul3A_465 = arith.constant 40 : i32
      %mul3A_466 = arith.muli %sub3A_464, %mul3A_465 : i32
      %dma_wait3A_467 = tpu.memref_slice %arg8[%mul3A_466] : memref<10000xi32, #tpu.memory_space<vmem>> -> memref<40xi32, #tpu.memory_space<vmem>>
      %dma_wait3A_468 = arith.constant 0 : i32
      %dma_wait3A_469 = arith.constant 0 : i32
      %dma_wait3A_470 = tpu.memref_slice %arg7[%dma_wait3A_468, %dma_wait3A_469] : memref<10000x128xf32, #tpu.memory_space<vmem_shared>> -> memref<10000x128xf32, #tpu.memory_space<vmem_shared>>
      tpu.wait_indirect_dma semaphore(%arg24 : memref<!tpu.dma_semaphore, #tpu.memory_space<semaphore_mem>>) src(%arg12 : memref<40x128xf32, #tpu.memory_space<vmem>>) dst(%dma_wait3A_470 : memref<10000x128xf32, #tpu.memory_space<vmem_shared>>)
      %add3A_471 = arith.constant 6 : i32
      %add3A_472 = arith.addi %sub3A_450, %add3A_471 : i32
      %sub3A_473 = arith.constant 1 : i32
      %sub3A_474 = arith.subi %add3A_472, %sub3A_473 : i32
      %mul3A_475 = arith.constant 40 : i32
      %mul3A_476 = arith.muli %sub3A_474, %mul3A_475 : i32
      %dma_start3A_477 = tpu.memref_slice %arg9[%mul3A_476] : memref<10000xi32, #tpu.memory_space<vmem>> -> memref<40xi32, #tpu.memory_space<vmem>>
      %dma_start3A_478 = arith.constant 0 : i32
      %dma_start3A_479 = arith.constant 0 : i32
      %dma_start3A_480 = tpu.memref_slice %arg2[%dma_start3A_478, %dma_start3A_479] : memref<10000x128xf32, #tpu.memory_space<hbm>> -> memref<10000x128xf32, #tpu.memory_space<hbm>>
      tpu.enqueue_indirect_dma source(%dma_start3A_480 : memref<10000x128xf32, #tpu.memory_space<hbm>>) target(%arg12 : memref<40x128xf32, #tpu.memory_space<vmem>>) offsets(%dma_start3A_477 : memref<40xi32, #tpu.memory_space<vmem>>) semaphore(%arg18 : memref<!tpu.dma_semaphore, #tpu.memory_space<semaphore_mem>>)
      %add3A_481 = arith.constant 1 : i32
      %add3A_482 = arith.addi %add3A_447, %add3A_481 : i32
      %sub3A_483 = arith.constant 250 : i32
      %sub3A_484 = arith.subi %add3A_482, %sub3A_483 : i32
      %mul3A_485 = arith.constant 40 : i32
      %mul3A_486 = arith.muli %sub3A_484, %mul3A_485 : i32
      %dma_wait3A_487 = tpu.memref_slice %arg9[%mul3A_486] : memref<10000xi32, #tpu.memory_space<vmem>> -> memref<40xi32, #tpu.memory_space<vmem>>
      %dma_wait3A_488 = arith.constant 0 : i32
      %dma_wait3A_489 = arith.constant 0 : i32
      %dma_wait3A_490 = tpu.memref_slice %arg2[%dma_wait3A_488, %dma_wait3A_489] : memref<10000x128xf32, #tpu.memory_space<hbm>> -> memref<10000x128xf32, #tpu.memory_space<hbm>>
      tpu.wait_indirect_dma semaphore(%arg20 : memref<!tpu.dma_semaphore, #tpu.memory_space<semaphore_mem>>) src(%dma_wait3A_490 : memref<10000x128xf32, #tpu.memory_space<hbm>>) dst(%arg14 : memref<40x128xf32, #tpu.memory_space<vmem>>)
      %mul3A_491 = arith.constant 40 : i32
      %mul3A_492 = arith.muli %sub3A_484, %mul3A_491 : i32
      %dma_start3A_493 = tpu.memref_slice %arg8[%mul3A_492] : memref<10000xi32, #tpu.memory_space<vmem>> -> memref<40xi32, #tpu.memory_space<vmem>>
      %dma_start3A_494 = arith.constant 0 : i32
      %dma_start3A_495 = arith.constant 0 : i32
      %dma_start3A_496 = tpu.memref_slice %arg7[%dma_start3A_494, %dma_start3A_495] : memref<10000x128xf32, #tpu.memory_space<vmem_shared>> -> memref<10000x128xf32, #tpu.memory_space<vmem_shared>>
      tpu.enqueue_indirect_dma source(%arg14 : memref<40x128xf32, #tpu.memory_space<vmem>>) target(%dma_start3A_496 : memref<10000x128xf32, #tpu.memory_space<vmem_shared>>) offsets(%dma_start3A_493 : memref<40xi32, #tpu.memory_space<vmem>>) semaphore(%arg26 : memref<!tpu.dma_semaphore, #tpu.memory_space<semaphore_mem>>) {add = true}
      %sub3A_497 = arith.constant 1 : i32
      %sub3A_498 = arith.subi %sub3A_484, %sub3A_497 : i32
      %mul3A_499 = arith.constant 40 : i32
      %mul3A_500 = arith.muli %sub3A_498, %mul3A_499 : i32
      %dma_wait3A_501 = tpu.memref_slice %arg8[%mul3A_500] : memref<10000xi32, #tpu.memory_space<vmem>> -> memref<40xi32, #tpu.memory_space<vmem>>
      %dma_wait3A_502 = arith.constant 0 : i32
      %dma_wait3A_503 = arith.constant 0 : i32
      %dma_wait3A_504 = tpu.memref_slice %arg7[%dma_wait3A_502, %dma_wait3A_503] : memref<10000x128xf32, #tpu.memory_space<vmem_shared>> -> memref<10000x128xf32, #tpu.memory_space<vmem_shared>>
      tpu.wait_indirect_dma semaphore(%arg25 : memref<!tpu.dma_semaphore, #tpu.memory_space<semaphore_mem>>) src(%arg13 : memref<40x128xf32, #tpu.memory_space<vmem>>) dst(%dma_wait3A_504 : memref<10000x128xf32, #tpu.memory_space<vmem_shared>>)
      %add3A_505 = arith.constant 6 : i32
      %add3A_506 = arith.addi %sub3A_484, %add3A_505 : i32
      %sub3A_507 = arith.constant 1 : i32
      %sub3A_508 = arith.subi %add3A_506, %sub3A_507 : i32
      %mul3A_509 = arith.constant 40 : i32
      %mul3A_510 = arith.muli %sub3A_508, %mul3A_509 : i32
      %dma_start3A_511 = tpu.memref_slice %arg9[%mul3A_510] : memref<10000xi32, #tpu.memory_space<vmem>> -> memref<40xi32, #tpu.memory_space<vmem>>
      %dma_start3A_512 = arith.constant 0 : i32
      %dma_start3A_513 = arith.constant 0 : i32
      %dma_start3A_514 = tpu.memref_slice %arg2[%dma_start3A_512, %dma_start3A_513] : memref<10000x128xf32, #tpu.memory_space<hbm>> -> memref<10000x128xf32, #tpu.memory_space<hbm>>
      tpu.enqueue_indirect_dma source(%dma_start3A_514 : memref<10000x128xf32, #tpu.memory_space<hbm>>) target(%arg13 : memref<40x128xf32, #tpu.memory_space<vmem>>) offsets(%dma_start3A_511 : memref<40xi32, #tpu.memory_space<vmem>>) semaphore(%arg19 : memref<!tpu.dma_semaphore, #tpu.memory_space<semaphore_mem>>)
      %add3A_515 = arith.constant 2 : i32
      %add3A_516 = arith.addi %add3A_447, %add3A_515 : i32
      %sub3A_517 = arith.constant 250 : i32
      %sub3A_518 = arith.subi %add3A_516, %sub3A_517 : i32
      %mul3A_519 = arith.constant 40 : i32
      %mul3A_520 = arith.muli %sub3A_518, %mul3A_519 : i32
      %dma_wait3A_521 = tpu.memref_slice %arg9[%mul3A_520] : memref<10000xi32, #tpu.memory_space<vmem>> -> memref<40xi32, #tpu.memory_space<vmem>>
      %dma_wait3A_522 = arith.constant 0 : i32
      %dma_wait3A_523 = arith.constant 0 : i32
      %dma_wait3A_524 = tpu.memref_slice %arg2[%dma_wait3A_522, %dma_wait3A_523] : memref<10000x128xf32, #tpu.memory_space<hbm>> -> memref<10000x128xf32, #tpu.memory_space<hbm>>
      tpu.wait_indirect_dma semaphore(%arg21 : memref<!tpu.dma_semaphore, #tpu.memory_space<semaphore_mem>>) src(%dma_wait3A_524 : memref<10000x128xf32, #tpu.memory_space<hbm>>) dst(%arg15 : memref<40x128xf32, #tpu.memory_space<vmem>>)
      %mul3A_525 = arith.constant 40 : i32
      %mul3A_526 = arith.muli %sub3A_518, %mul3A_525 : i32
      %dma_start3A_527 = tpu.memref_slice %arg8[%mul3A_526] : memref<10000xi32, #tpu.memory_space<vmem>> -> memref<40xi32, #tpu.memory_space<vmem>>
      %dma_start3A_528 = arith.constant 0 : i32
      %dma_start3A_529 = arith.constant 0 : i32
      %dma_start3A_530 = tpu.memref_slice %arg7[%dma_start3A_528, %dma_start3A_529] : memref<10000x128xf32, #tpu.memory_space<vmem_shared>> -> memref<10000x128xf32, #tpu.memory_space<vmem_shared>>
      tpu.enqueue_indirect_dma source(%arg15 : memref<40x128xf32, #tpu.memory_space<vmem>>) target(%dma_start3A_530 : memref<10000x128xf32, #tpu.memory_space<vmem_shared>>) offsets(%dma_start3A_527 : memref<40xi32, #tpu.memory_space<vmem>>) semaphore(%arg27 : memref<!tpu.dma_semaphore, #tpu.memory_space<semaphore_mem>>) {add = true}
      %sub3A_531 = arith.constant 1 : i32
      %sub3A_532 = arith.subi %sub3A_518, %sub3A_531 : i32
      %mul3A_533 = arith.constant 40 : i32
      %mul3A_534 = arith.muli %sub3A_532, %mul3A_533 : i32
      %dma_wait3A_535 = tpu.memref_slice %arg8[%mul3A_534] : memref<10000xi32, #tpu.memory_space<vmem>> -> memref<40xi32, #tpu.memory_space<vmem>>
      %dma_wait3A_536 = arith.constant 0 : i32
      %dma_wait3A_537 = arith.constant 0 : i32
      %dma_wait3A_538 = tpu.memref_slice %arg7[%dma_wait3A_536, %dma_wait3A_537] : memref<10000x128xf32, #tpu.memory_space<vmem_shared>> -> memref<10000x128xf32, #tpu.memory_space<vmem_shared>>
      tpu.wait_indirect_dma semaphore(%arg26 : memref<!tpu.dma_semaphore, #tpu.memory_space<semaphore_mem>>) src(%arg14 : memref<40x128xf32, #tpu.memory_space<vmem>>) dst(%dma_wait3A_538 : memref<10000x128xf32, #tpu.memory_space<vmem_shared>>)
      %add3A_539 = arith.constant 6 : i32
      %add3A_540 = arith.addi %sub3A_518, %add3A_539 : i32
      %sub3A_541 = arith.constant 1 : i32
      %sub3A_542 = arith.subi %add3A_540, %sub3A_541 : i32
      %mul3A_543 = arith.constant 40 : i32
      %mul3A_544 = arith.muli %sub3A_542, %mul3A_543 : i32
      %dma_start3A_545 = tpu.memref_slice %arg9[%mul3A_544] : memref<10000xi32, #tpu.memory_space<vmem>> -> memref<40xi32, #tpu.memory_space<vmem>>
      %dma_start3A_546 = arith.constant 0 : i32
      %dma_start3A_547 = arith.constant 0 : i32
      %dma_start3A_548 = tpu.memref_slice %arg2[%dma_start3A_546, %dma_start3A_547] : memref<10000x128xf32, #tpu.memory_space<hbm>> -> memref<10000x128xf32, #tpu.memory_space<hbm>>
      tpu.enqueue_indirect_dma source(%dma_start3A_548 : memref<10000x128xf32, #tpu.memory_space<hbm>>) target(%arg14 : memref<40x128xf32, #tpu.memory_space<vmem>>) offsets(%dma_start3A_545 : memref<40xi32, #tpu.memory_space<vmem>>) semaphore(%arg20 : memref<!tpu.dma_semaphore, #tpu.memory_space<semaphore_mem>>)
      %add3A_549 = arith.constant 3 : i32
      %add3A_550 = arith.addi %add3A_447, %add3A_549 : i32
      %sub3A_551 = arith.constant 250 : i32
      %sub3A_552 = arith.subi %add3A_550, %sub3A_551 : i32
      %mul3A_553 = arith.constant 40 : i32
      %mul3A_554 = arith.muli %sub3A_552, %mul3A_553 : i32
      %dma_wait3A_555 = tpu.memref_slice %arg9[%mul3A_554] : memref<10000xi32, #tpu.memory_space<vmem>> -> memref<40xi32, #tpu.memory_space<vmem>>
      %dma_wait3A_556 = arith.constant 0 : i32
      %dma_wait3A_557 = arith.constant 0 : i32
      %dma_wait3A_558 = tpu.memref_slice %arg2[%dma_wait3A_556, %dma_wait3A_557] : memref<10000x128xf32, #tpu.memory_space<hbm>> -> memref<10000x128xf32, #tpu.memory_space<hbm>>
      tpu.wait_indirect_dma semaphore(%arg16 : memref<!tpu.dma_semaphore, #tpu.memory_space<semaphore_mem>>) src(%dma_wait3A_558 : memref<10000x128xf32, #tpu.memory_space<hbm>>) dst(%arg10 : memref<40x128xf32, #tpu.memory_space<vmem>>)
      %mul3A_559 = arith.constant 40 : i32
      %mul3A_560 = arith.muli %sub3A_552, %mul3A_559 : i32
      %dma_start3A_561 = tpu.memref_slice %arg8[%mul3A_560] : memref<10000xi32, #tpu.memory_space<vmem>> -> memref<40xi32, #tpu.memory_space<vmem>>
      %dma_start3A_562 = arith.constant 0 : i32
      %dma_start3A_563 = arith.constant 0 : i32
      %dma_start3A_564 = tpu.memref_slice %arg7[%dma_start3A_562, %dma_start3A_563] : memref<10000x128xf32, #tpu.memory_space<vmem_shared>> -> memref<10000x128xf32, #tpu.memory_space<vmem_shared>>
      tpu.enqueue_indirect_dma source(%arg10 : memref<40x128xf32, #tpu.memory_space<vmem>>) target(%dma_start3A_564 : memref<10000x128xf32, #tpu.memory_space<vmem_shared>>) offsets(%dma_start3A_561 : memref<40xi32, #tpu.memory_space<vmem>>) semaphore(%arg22 : memref<!tpu.dma_semaphore, #tpu.memory_space<semaphore_mem>>) {add = true}
      %sub3A_565 = arith.constant 1 : i32
      %sub3A_566 = arith.subi %sub3A_552, %sub3A_565 : i32
      %mul3A_567 = arith.constant 40 : i32
      %mul3A_568 = arith.muli %sub3A_566, %mul3A_567 : i32
      %dma_wait3A_569 = tpu.memref_slice %arg8[%mul3A_568] : memref<10000xi32, #tpu.memory_space<vmem>> -> memref<40xi32, #tpu.memory_space<vmem>>
      %dma_wait3A_570 = arith.constant 0 : i32
      %dma_wait3A_571 = arith.constant 0 : i32
      %dma_wait3A_572 = tpu.memref_slice %arg7[%dma_wait3A_570, %dma_wait3A_571] : memref<10000x128xf32, #tpu.memory_space<vmem_shared>> -> memref<10000x128xf32, #tpu.memory_space<vmem_shared>>
      tpu.wait_indirect_dma semaphore(%arg27 : memref<!tpu.dma_semaphore, #tpu.memory_space<semaphore_mem>>) src(%arg15 : memref<40x128xf32, #tpu.memory_space<vmem>>) dst(%dma_wait3A_572 : memref<10000x128xf32, #tpu.memory_space<vmem_shared>>)
      %add3A_573 = arith.constant 6 : i32
      %add3A_574 = arith.addi %sub3A_552, %add3A_573 : i32
      %sub3A_575 = arith.constant 1 : i32
      %sub3A_576 = arith.subi %add3A_574, %sub3A_575 : i32
      %mul3A_577 = arith.constant 40 : i32
      %mul3A_578 = arith.muli %sub3A_576, %mul3A_577 : i32
      %dma_start3A_579 = tpu.memref_slice %arg9[%mul3A_578] : memref<10000xi32, #tpu.memory_space<vmem>> -> memref<40xi32, #tpu.memory_space<vmem>>
      %dma_start3A_580 = arith.constant 0 : i32
      %dma_start3A_581 = arith.constant 0 : i32
      %dma_start3A_582 = tpu.memref_slice %arg2[%dma_start3A_580, %dma_start3A_581] : memref<10000x128xf32, #tpu.memory_space<hbm>> -> memref<10000x128xf32, #tpu.memory_space<hbm>>
      tpu.enqueue_indirect_dma source(%dma_start3A_582 : memref<10000x128xf32, #tpu.memory_space<hbm>>) target(%arg15 : memref<40x128xf32, #tpu.memory_space<vmem>>) offsets(%dma_start3A_579 : memref<40xi32, #tpu.memory_space<vmem>>) semaphore(%arg21 : memref<!tpu.dma_semaphore, #tpu.memory_space<semaphore_mem>>)
      %add3A_583 = arith.constant 4 : i32
      %add3A_584 = arith.addi %add3A_447, %add3A_583 : i32
      %sub3A_585 = arith.constant 250 : i32
      %sub3A_586 = arith.subi %add3A_584, %sub3A_585 : i32
      %mul3A_587 = arith.constant 40 : i32
      %mul3A_588 = arith.muli %sub3A_586, %mul3A_587 : i32
      %dma_wait3A_589 = tpu.memref_slice %arg9[%mul3A_588] : memref<10000xi32, #tpu.memory_space<vmem>> -> memref<40xi32, #tpu.memory_space<vmem>>
      %dma_wait3A_590 = arith.constant 0 : i32
      %dma_wait3A_591 = arith.constant 0 : i32
      %dma_wait3A_592 = tpu.memref_slice %arg2[%dma_wait3A_590, %dma_wait3A_591] : memref<10000x128xf32, #tpu.memory_space<hbm>> -> memref<10000x128xf32, #tpu.memory_space<hbm>>
      tpu.wait_indirect_dma semaphore(%arg17 : memref<!tpu.dma_semaphore, #tpu.memory_space<semaphore_mem>>) src(%dma_wait3A_592 : memref<10000x128xf32, #tpu.memory_space<hbm>>) dst(%arg11 : memref<40x128xf32, #tpu.memory_space<vmem>>)
      %mul3A_593 = arith.constant 40 : i32
      %mul3A_594 = arith.muli %sub3A_586, %mul3A_593 : i32
      %dma_start3A_595 = tpu.memref_slice %arg8[%mul3A_594] : memref<10000xi32, #tpu.memory_space<vmem>> -> memref<40xi32, #tpu.memory_space<vmem>>
      %dma_start3A_596 = arith.constant 0 : i32
      %dma_start3A_597 = arith.constant 0 : i32
      %dma_start3A_598 = tpu.memref_slice %arg7[%dma_start3A_596, %dma_start3A_597] : memref<10000x128xf32, #tpu.memory_space<vmem_shared>> -> memref<10000x128xf32, #tpu.memory_space<vmem_shared>>
      tpu.enqueue_indirect_dma source(%arg11 : memref<40x128xf32, #tpu.memory_space<vmem>>) target(%dma_start3A_598 : memref<10000x128xf32, #tpu.memory_space<vmem_shared>>) offsets(%dma_start3A_595 : memref<40xi32, #tpu.memory_space<vmem>>) semaphore(%arg23 : memref<!tpu.dma_semaphore, #tpu.memory_space<semaphore_mem>>) {add = true}
      %sub3A_599 = arith.constant 1 : i32
      %sub3A_600 = arith.subi %sub3A_586, %sub3A_599 : i32
      %mul3A_601 = arith.constant 40 : i32
      %mul3A_602 = arith.muli %sub3A_600, %mul3A_601 : i32
      %dma_wait3A_603 = tpu.memref_slice %arg8[%mul3A_602] : memref<10000xi32, #tpu.memory_space<vmem>> -> memref<40xi32, #tpu.memory_space<vmem>>
      %dma_wait3A_604 = arith.constant 0 : i32
      %dma_wait3A_605 = arith.constant 0 : i32
      %dma_wait3A_606 = tpu.memref_slice %arg7[%dma_wait3A_604, %dma_wait3A_605] : memref<10000x128xf32, #tpu.memory_space<vmem_shared>> -> memref<10000x128xf32, #tpu.memory_space<vmem_shared>>
      tpu.wait_indirect_dma semaphore(%arg22 : memref<!tpu.dma_semaphore, #tpu.memory_space<semaphore_mem>>) src(%arg10 : memref<40x128xf32, #tpu.memory_space<vmem>>) dst(%dma_wait3A_606 : memref<10000x128xf32, #tpu.memory_space<vmem_shared>>)
      %add3A_607 = arith.constant 6 : i32
      %add3A_608 = arith.addi %sub3A_586, %add3A_607 : i32
      %sub3A_609 = arith.constant 1 : i32
      %sub3A_610 = arith.subi %add3A_608, %sub3A_609 : i32
      %mul3A_611 = arith.constant 40 : i32
      %mul3A_612 = arith.muli %sub3A_610, %mul3A_611 : i32
      %dma_start3A_613 = tpu.memref_slice %arg9[%mul3A_612] : memref<10000xi32, #tpu.memory_space<vmem>> -> memref<40xi32, #tpu.memory_space<vmem>>
      %dma_start3A_614 = arith.constant 0 : i32
      %dma_start3A_615 = arith.constant 0 : i32
      %dma_start3A_616 = tpu.memref_slice %arg2[%dma_start3A_614, %dma_start3A_615] : memref<10000x128xf32, #tpu.memory_space<hbm>> -> memref<10000x128xf32, #tpu.memory_space<hbm>>
      tpu.enqueue_indirect_dma source(%dma_start3A_616 : memref<10000x128xf32, #tpu.memory_space<hbm>>) target(%arg10 : memref<40x128xf32, #tpu.memory_space<vmem>>) offsets(%dma_start3A_613 : memref<40xi32, #tpu.memory_space<vmem>>) semaphore(%arg16 : memref<!tpu.dma_semaphore, #tpu.memory_space<semaphore_mem>>)
      %add3A_617 = arith.constant 5 : i32
      %add3A_618 = arith.addi %add3A_447, %add3A_617 : i32
      %sub3A_619 = arith.constant 250 : i32
      %sub3A_620 = arith.subi %add3A_618, %sub3A_619 : i32
      %mul3A_621 = arith.constant 40 : i32
      %mul3A_622 = arith.muli %sub3A_620, %mul3A_621 : i32
      %dma_wait3A_623 = tpu.memref_slice %arg9[%mul3A_622] : memref<10000xi32, #tpu.memory_space<vmem>> -> memref<40xi32, #tpu.memory_space<vmem>>
      %dma_wait3A_624 = arith.constant 0 : i32
      %dma_wait3A_625 = arith.constant 0 : i32
      %dma_wait3A_626 = tpu.memref_slice %arg2[%dma_wait3A_624, %dma_wait3A_625] : memref<10000x128xf32, #tpu.memory_space<hbm>> -> memref<10000x128xf32, #tpu.memory_space<hbm>>
      tpu.wait_indirect_dma semaphore(%arg18 : memref<!tpu.dma_semaphore, #tpu.memory_space<semaphore_mem>>) src(%dma_wait3A_626 : memref<10000x128xf32, #tpu.memory_space<hbm>>) dst(%arg12 : memref<40x128xf32, #tpu.memory_space<vmem>>)
      %mul3A_627 = arith.constant 40 : i32
      %mul3A_628 = arith.muli %sub3A_620, %mul3A_627 : i32
      %dma_start3A_629 = tpu.memref_slice %arg8[%mul3A_628] : memref<10000xi32, #tpu.memory_space<vmem>> -> memref<40xi32, #tpu.memory_space<vmem>>
      %dma_start3A_630 = arith.constant 0 : i32
      %dma_start3A_631 = arith.constant 0 : i32
      %dma_start3A_632 = tpu.memref_slice %arg7[%dma_start3A_630, %dma_start3A_631] : memref<10000x128xf32, #tpu.memory_space<vmem_shared>> -> memref<10000x128xf32, #tpu.memory_space<vmem_shared>>
      tpu.enqueue_indirect_dma source(%arg12 : memref<40x128xf32, #tpu.memory_space<vmem>>) target(%dma_start3A_632 : memref<10000x128xf32, #tpu.memory_space<vmem_shared>>) offsets(%dma_start3A_629 : memref<40xi32, #tpu.memory_space<vmem>>) semaphore(%arg24 : memref<!tpu.dma_semaphore, #tpu.memory_space<semaphore_mem>>) {add = true}
      %sub3A_633 = arith.constant 1 : i32
      %sub3A_634 = arith.subi %sub3A_620, %sub3A_633 : i32
      %mul3A_635 = arith.constant 40 : i32
      %mul3A_636 = arith.muli %sub3A_634, %mul3A_635 : i32
      %dma_wait3A_637 = tpu.memref_slice %arg8[%mul3A_636] : memref<10000xi32, #tpu.memory_space<vmem>> -> memref<40xi32, #tpu.memory_space<vmem>>
      %dma_wait3A_638 = arith.constant 0 : i32
      %dma_wait3A_639 = arith.constant 0 : i32
      %dma_wait3A_640 = tpu.memref_slice %arg7[%dma_wait3A_638, %dma_wait3A_639] : memref<10000x128xf32, #tpu.memory_space<vmem_shared>> -> memref<10000x128xf32, #tpu.memory_space<vmem_shared>>
      tpu.wait_indirect_dma semaphore(%arg23 : memref<!tpu.dma_semaphore, #tpu.memory_space<semaphore_mem>>) src(%arg11 : memref<40x128xf32, #tpu.memory_space<vmem>>) dst(%dma_wait3A_640 : memref<10000x128xf32, #tpu.memory_space<vmem_shared>>)
      %add3A_641 = arith.constant 6 : i32
      %add3A_642 = arith.addi %sub3A_620, %add3A_641 : i32
      %sub3A_643 = arith.constant 1 : i32
      %sub3A_644 = arith.subi %add3A_642, %sub3A_643 : i32
      %mul3A_645 = arith.constant 40 : i32
      %mul3A_646 = arith.muli %sub3A_644, %mul3A_645 : i32
      %dma_start3A_647 = tpu.memref_slice %arg9[%mul3A_646] : memref<10000xi32, #tpu.memory_space<vmem>> -> memref<40xi32, #tpu.memory_space<vmem>>
      %dma_start3A_648 = arith.constant 0 : i32
      %dma_start3A_649 = arith.constant 0 : i32
      %dma_start3A_650 = tpu.memref_slice %arg2[%dma_start3A_648, %dma_start3A_649] : memref<10000x128xf32, #tpu.memory_space<hbm>> -> memref<10000x128xf32, #tpu.memory_space<hbm>>
      tpu.enqueue_indirect_dma source(%dma_start3A_650 : memref<10000x128xf32, #tpu.memory_space<hbm>>) target(%arg11 : memref<40x128xf32, #tpu.memory_space<vmem>>) offsets(%dma_start3A_647 : memref<40xi32, #tpu.memory_space<vmem>>) semaphore(%arg17 : memref<!tpu.dma_semaphore, #tpu.memory_space<semaphore_mem>>)
    }
    %scan3A_353 = arith.constant 40 : i32
    %dma_wait3A_354 = arith.constant 9800 : i32
    %dma_wait3A_355 = tpu.memref_slice %arg9[%dma_wait3A_354] : memref<10000xi32, #tpu.memory_space<vmem>> -> memref<40xi32, #tpu.memory_space<vmem>>
    %dma_wait3A_356 = arith.constant 0 : i32
    %dma_wait3A_357 = arith.constant 0 : i32
    %dma_wait3A_358 = tpu.memref_slice %arg2[%dma_wait3A_356, %dma_wait3A_357] : memref<10000x128xf32, #tpu.memory_space<hbm>> -> memref<10000x128xf32, #tpu.memory_space<hbm>>
    tpu.wait_indirect_dma semaphore(%arg19 : memref<!tpu.dma_semaphore, #tpu.memory_space<semaphore_mem>>) src(%dma_wait3A_358 : memref<10000x128xf32, #tpu.memory_space<hbm>>) dst(%arg13 : memref<40x128xf32, #tpu.memory_space<vmem>>)
    %dma_start3A_359 = arith.constant 9800 : i32
    %dma_start3A_360 = tpu.memref_slice %arg8[%dma_start3A_359] : memref<10000xi32, #tpu.memory_space<vmem>> -> memref<40xi32, #tpu.memory_space<vmem>>
    %dma_start3A_361 = arith.constant 0 : i32
    %dma_start3A_362 = arith.constant 0 : i32
    %dma_start3A_363 = tpu.memref_slice %arg7[%dma_start3A_361, %dma_start3A_362] : memref<10000x128xf32, #tpu.memory_space<vmem_shared>> -> memref<10000x128xf32, #tpu.memory_space<vmem_shared>>
    tpu.enqueue_indirect_dma source(%arg13 : memref<40x128xf32, #tpu.memory_space<vmem>>) target(%dma_start3A_363 : memref<10000x128xf32, #tpu.memory_space<vmem_shared>>) offsets(%dma_start3A_360 : memref<40xi32, #tpu.memory_space<vmem>>) semaphore(%arg25 : memref<!tpu.dma_semaphore, #tpu.memory_space<semaphore_mem>>) {add = true}
    %dma_wait3A_364 = arith.constant 9840 : i32
    %dma_wait3A_365 = tpu.memref_slice %arg9[%dma_wait3A_364] : memref<10000xi32, #tpu.memory_space<vmem>> -> memref<40xi32, #tpu.memory_space<vmem>>
    %dma_wait3A_366 = arith.constant 0 : i32
    %dma_wait3A_367 = arith.constant 0 : i32
    %dma_wait3A_368 = tpu.memref_slice %arg2[%dma_wait3A_366, %dma_wait3A_367] : memref<10000x128xf32, #tpu.memory_space<hbm>> -> memref<10000x128xf32, #tpu.memory_space<hbm>>
    tpu.wait_indirect_dma semaphore(%arg20 : memref<!tpu.dma_semaphore, #tpu.memory_space<semaphore_mem>>) src(%dma_wait3A_368 : memref<10000x128xf32, #tpu.memory_space<hbm>>) dst(%arg14 : memref<40x128xf32, #tpu.memory_space<vmem>>)
    %dma_start3A_369 = arith.constant 9840 : i32
    %dma_start3A_370 = tpu.memref_slice %arg8[%dma_start3A_369] : memref<10000xi32, #tpu.memory_space<vmem>> -> memref<40xi32, #tpu.memory_space<vmem>>
    %dma_start3A_371 = arith.constant 0 : i32
    %dma_start3A_372 = arith.constant 0 : i32
    %dma_start3A_373 = tpu.memref_slice %arg7[%dma_start3A_371, %dma_start3A_372] : memref<10000x128xf32, #tpu.memory_space<vmem_shared>> -> memref<10000x128xf32, #tpu.memory_space<vmem_shared>>
    tpu.enqueue_indirect_dma source(%arg14 : memref<40x128xf32, #tpu.memory_space<vmem>>) target(%dma_start3A_373 : memref<10000x128xf32, #tpu.memory_space<vmem_shared>>) offsets(%dma_start3A_370 : memref<40xi32, #tpu.memory_space<vmem>>) semaphore(%arg26 : memref<!tpu.dma_semaphore, #tpu.memory_space<semaphore_mem>>) {add = true}
    %dma_wait3A_374 = arith.constant 9880 : i32
    %dma_wait3A_375 = tpu.memref_slice %arg9[%dma_wait3A_374] : memref<10000xi32, #tpu.memory_space<vmem>> -> memref<40xi32, #tpu.memory_space<vmem>>
    %dma_wait3A_376 = arith.constant 0 : i32
    %dma_wait3A_377 = arith.constant 0 : i32
    %dma_wait3A_378 = tpu.memref_slice %arg2[%dma_wait3A_376, %dma_wait3A_377] : memref<10000x128xf32, #tpu.memory_space<hbm>> -> memref<10000x128xf32, #tpu.memory_space<hbm>>
    tpu.wait_indirect_dma semaphore(%arg21 : memref<!tpu.dma_semaphore, #tpu.memory_space<semaphore_mem>>) src(%dma_wait3A_378 : memref<10000x128xf32, #tpu.memory_space<hbm>>) dst(%arg15 : memref<40x128xf32, #tpu.memory_space<vmem>>)
    %dma_start3A_379 = arith.constant 9880 : i32
    %dma_start3A_380 = tpu.memref_slice %arg8[%dma_start3A_379] : memref<10000xi32, #tpu.memory_space<vmem>> -> memref<40xi32, #tpu.memory_space<vmem>>
    %dma_start3A_381 = arith.constant 0 : i32
    %dma_start3A_382 = arith.constant 0 : i32
    %dma_start3A_383 = tpu.memref_slice %arg7[%dma_start3A_381, %dma_start3A_382] : memref<10000x128xf32, #tpu.memory_space<vmem_shared>> -> memref<10000x128xf32, #tpu.memory_space<vmem_shared>>
    tpu.enqueue_indirect_dma source(%arg15 : memref<40x128xf32, #tpu.memory_space<vmem>>) target(%dma_start3A_383 : memref<10000x128xf32, #tpu.memory_space<vmem_shared>>) offsets(%dma_start3A_380 : memref<40xi32, #tpu.memory_space<vmem>>) semaphore(%arg27 : memref<!tpu.dma_semaphore, #tpu.memory_space<semaphore_mem>>) {add = true}
    %dma_wait3A_384 = arith.constant 9920 : i32
    %dma_wait3A_385 = tpu.memref_slice %arg9[%dma_wait3A_384] : memref<10000xi32, #tpu.memory_space<vmem>> -> memref<40xi32, #tpu.memory_space<vmem>>
    %dma_wait3A_386 = arith.constant 0 : i32
    %dma_wait3A_387 = arith.constant 0 : i32
    %dma_wait3A_388 = tpu.memref_slice %arg2[%dma_wait3A_386, %dma_wait3A_387] : memref<10000x128xf32, #tpu.memory_space<hbm>> -> memref<10000x128xf32, #tpu.memory_space<hbm>>
    tpu.wait_indirect_dma semaphore(%arg16 : memref<!tpu.dma_semaphore, #tpu.memory_space<semaphore_mem>>) src(%dma_wait3A_388 : memref<10000x128xf32, #tpu.memory_space<hbm>>) dst(%arg10 : memref<40x128xf32, #tpu.memory_space<vmem>>)
    %dma_start3A_389 = arith.constant 9920 : i32
    %dma_start3A_390 = tpu.memref_slice %arg8[%dma_start3A_389] : memref<10000xi32, #tpu.memory_space<vmem>> -> memref<40xi32, #tpu.memory_space<vmem>>
    %dma_start3A_391 = arith.constant 0 : i32
    %dma_start3A_392 = arith.constant 0 : i32
    %dma_start3A_393 = tpu.memref_slice %arg7[%dma_start3A_391, %dma_start3A_392] : memref<10000x128xf32, #tpu.memory_space<vmem_shared>> -> memref<10000x128xf32, #tpu.memory_space<vmem_shared>>
    tpu.enqueue_indirect_dma source(%arg10 : memref<40x128xf32, #tpu.memory_space<vmem>>) target(%dma_start3A_393 : memref<10000x128xf32, #tpu.memory_space<vmem_shared>>) offsets(%dma_start3A_390 : memref<40xi32, #tpu.memory_space<vmem>>) semaphore(%arg22 : memref<!tpu.dma_semaphore, #tpu.memory_space<semaphore_mem>>) {add = true}
    %dma_wait3A_394 = arith.constant 9960 : i32
    %dma_wait3A_395 = tpu.memref_slice %arg9[%dma_wait3A_394] : memref<10000xi32, #tpu.memory_space<vmem>> -> memref<40xi32, #tpu.memory_space<vmem>>
    %dma_wait3A_396 = arith.constant 0 : i32
    %dma_wait3A_397 = arith.constant 0 : i32
    %dma_wait3A_398 = tpu.memref_slice %arg2[%dma_wait3A_396, %dma_wait3A_397] : memref<10000x128xf32, #tpu.memory_space<hbm>> -> memref<10000x128xf32, #tpu.memory_space<hbm>>
    tpu.wait_indirect_dma semaphore(%arg17 : memref<!tpu.dma_semaphore, #tpu.memory_space<semaphore_mem>>) src(%dma_wait3A_398 : memref<10000x128xf32, #tpu.memory_space<hbm>>) dst(%arg11 : memref<40x128xf32, #tpu.memory_space<vmem>>)
    %dma_start3A_399 = arith.constant 9960 : i32
    %dma_start3A_400 = tpu.memref_slice %arg8[%dma_start3A_399] : memref<10000xi32, #tpu.memory_space<vmem>> -> memref<40xi32, #tpu.memory_space<vmem>>
    %dma_start3A_401 = arith.constant 0 : i32
    %dma_start3A_402 = arith.constant 0 : i32
    %dma_start3A_403 = tpu.memref_slice %arg7[%dma_start3A_401, %dma_start3A_402] : memref<10000x128xf32, #tpu.memory_space<vmem_shared>> -> memref<10000x128xf32, #tpu.memory_space<vmem_shared>>
    tpu.enqueue_indirect_dma source(%arg11 : memref<40x128xf32, #tpu.memory_space<vmem>>) target(%dma_start3A_403 : memref<10000x128xf32, #tpu.memory_space<vmem_shared>>) offsets(%dma_start3A_400 : memref<40xi32, #tpu.memory_space<vmem>>) semaphore(%arg23 : memref<!tpu.dma_semaphore, #tpu.memory_space<semaphore_mem>>) {add = true}
    %dma_wait3A_404 = arith.constant 9760 : i32
    %dma_wait3A_405 = tpu.memref_slice %arg8[%dma_wait3A_404] : memref<10000xi32, #tpu.memory_space<vmem>> -> memref<40xi32, #tpu.memory_space<vmem>>
    %dma_wait3A_406 = arith.constant 0 : i32
    %dma_wait3A_407 = arith.constant 0 : i32
    %dma_wait3A_408 = tpu.memref_slice %arg7[%dma_wait3A_406, %dma_wait3A_407] : memref<10000x128xf32, #tpu.memory_space<vmem_shared>> -> memref<10000x128xf32, #tpu.memory_space<vmem_shared>>
    tpu.wait_indirect_dma semaphore(%arg24 : memref<!tpu.dma_semaphore, #tpu.memory_space<semaphore_mem>>) src(%arg12 : memref<40x128xf32, #tpu.memory_space<vmem>>) dst(%dma_wait3A_408 : memref<10000x128xf32, #tpu.memory_space<vmem_shared>>)
    %dma_wait3A_409 = arith.constant 9800 : i32
    %dma_wait3A_410 = tpu.memref_slice %arg8[%dma_wait3A_409] : memref<10000xi32, #tpu.memory_space<vmem>> -> memref<40xi32, #tpu.memory_space<vmem>>
    %dma_wait3A_411 = arith.constant 0 : i32
    %dma_wait3A_412 = arith.constant 0 : i32
    %dma_wait3A_413 = tpu.memref_slice %arg7[%dma_wait3A_411, %dma_wait3A_412] : memref<10000x128xf32, #tpu.memory_space<vmem_shared>> -> memref<10000x128xf32, #tpu.memory_space<vmem_shared>>
    tpu.wait_indirect_dma semaphore(%arg25 : memref<!tpu.dma_semaphore, #tpu.memory_space<semaphore_mem>>) src(%arg13 : memref<40x128xf32, #tpu.memory_space<vmem>>) dst(%dma_wait3A_413 : memref<10000x128xf32, #tpu.memory_space<vmem_shared>>)
    %dma_wait3A_414 = arith.constant 9840 : i32
    %dma_wait3A_415 = tpu.memref_slice %arg8[%dma_wait3A_414] : memref<10000xi32, #tpu.memory_space<vmem>> -> memref<40xi32, #tpu.memory_space<vmem>>
    %dma_wait3A_416 = arith.constant 0 : i32
    %dma_wait3A_417 = arith.constant 0 : i32
    %dma_wait3A_418 = tpu.memref_slice %arg7[%dma_wait3A_416, %dma_wait3A_417] : memref<10000x128xf32, #tpu.memory_space<vmem_shared>> -> memref<10000x128xf32, #tpu.memory_space<vmem_shared>>
    tpu.wait_indirect_dma semaphore(%arg26 : memref<!tpu.dma_semaphore, #tpu.memory_space<semaphore_mem>>) src(%arg14 : memref<40x128xf32, #tpu.memory_space<vmem>>) dst(%dma_wait3A_418 : memref<10000x128xf32, #tpu.memory_space<vmem_shared>>)
    %dma_wait3A_419 = arith.constant 9880 : i32
    %dma_wait3A_420 = tpu.memref_slice %arg8[%dma_wait3A_419] : memref<10000xi32, #tpu.memory_space<vmem>> -> memref<40xi32, #tpu.memory_space<vmem>>
    %dma_wait3A_421 = arith.constant 0 : i32
    %dma_wait3A_422 = arith.constant 0 : i32
    %dma_wait3A_423 = tpu.memref_slice %arg7[%dma_wait3A_421, %dma_wait3A_422] : memref<10000x128xf32, #tpu.memory_space<vmem_shared>> -> memref<10000x128xf32, #tpu.memory_space<vmem_shared>>
    tpu.wait_indirect_dma semaphore(%arg27 : memref<!tpu.dma_semaphore, #tpu.memory_space<semaphore_mem>>) src(%arg15 : memref<40x128xf32, #tpu.memory_space<vmem>>) dst(%dma_wait3A_423 : memref<10000x128xf32, #tpu.memory_space<vmem_shared>>)
    %dma_wait3A_424 = arith.constant 9920 : i32
    %dma_wait3A_425 = tpu.memref_slice %arg8[%dma_wait3A_424] : memref<10000xi32, #tpu.memory_space<vmem>> -> memref<40xi32, #tpu.memory_space<vmem>>
    %dma_wait3A_426 = arith.constant 0 : i32
    %dma_wait3A_427 = arith.constant 0 : i32
    %dma_wait3A_428 = tpu.memref_slice %arg7[%dma_wait3A_426, %dma_wait3A_427] : memref<10000x128xf32, #tpu.memory_space<vmem_shared>> -> memref<10000x128xf32, #tpu.memory_space<vmem_shared>>
    tpu.wait_indirect_dma semaphore(%arg22 : memref<!tpu.dma_semaphore, #tpu.memory_space<semaphore_mem>>) src(%arg10 : memref<40x128xf32, #tpu.memory_space<vmem>>) dst(%dma_wait3A_428 : memref<10000x128xf32, #tpu.memory_space<vmem_shared>>)
    %dma_wait3A_429 = arith.constant 9960 : i32
    %dma_wait3A_430 = tpu.memref_slice %arg8[%dma_wait3A_429] : memref<10000xi32, #tpu.memory_space<vmem>> -> memref<40xi32, #tpu.memory_space<vmem>>
    %dma_wait3A_431 = arith.constant 0 : i32
    %dma_wait3A_432 = arith.constant 0 : i32
    %dma_wait3A_433 = tpu.memref_slice %arg7[%dma_wait3A_431, %dma_wait3A_432] : memref<10000x128xf32, #tpu.memory_space<vmem_shared>> -> memref<10000x128xf32, #tpu.memory_space<vmem_shared>>
    tpu.wait_indirect_dma semaphore(%arg23 : memref<!tpu.dma_semaphore, #tpu.memory_space<semaphore_mem>>) src(%arg11 : memref<40x128xf32, #tpu.memory_space<vmem>>) dst(%dma_wait3A_433 : memref<10000x128xf32, #tpu.memory_space<vmem_shared>>)
    %barrier3A_434 = arith.constant 0 : index
    tpu.barrier barrier_id(%barrier3A_434)
    %mul3A_435 = arith.constant 10000 : i32
    %mul3A_436 = arith.muli %arg0, %mul3A_435 : i32
    %add3A_437 = arith.addi %mul3A_436, %mul3A_2 : i32
    "tpu.region"() ({
      %run_scoped3A = tpu.sem_alloc : memref<!tpu.dma_semaphore, #tpu.memory_space<semaphore_mem>>
      %dma_start3A_443 = arith.constant 0 : i32
      %dma_start3A_444 = tpu.memref_slice %arg6[%add3A_437, %dma_start3A_443] : memref<20000x128xf32, #tpu.memory_space<hbm>> -> memref<624x128xf32, #tpu.memory_space<hbm>>
      %dma_start3A_445 = arith.constant 0 : i32
      %dma_start3A_446 = tpu.memref_slice %arg7[%mul3A_2, %dma_start3A_445] : memref<10000x128xf32, #tpu.memory_space<vmem_shared>> -> memref<624x128xf32, #tpu.memory_space<vmem_shared>>
      tpu.enqueue_dma source(%dma_start3A_446 : memref<624x128xf32, #tpu.memory_space<vmem_shared>>) target(%dma_start3A_444 : memref<624x128xf32, #tpu.memory_space<hbm>>) target_semaphore(%run_scoped3A : memref<!tpu.dma_semaphore, #tpu.memory_space<semaphore_mem>>)
      %dma_wait3A_447 = arith.constant 0 : i32
      %dma_wait3A_448 = tpu.memref_slice %arg6[%add3A_437, %dma_wait3A_447] : memref<20000x128xf32, #tpu.memory_space<hbm>> -> memref<624x128xf32, #tpu.memory_space<hbm>>
      %dma_wait3A_449 = arith.constant 0 : i32
      %dma_wait3A_450 = tpu.memref_slice %arg7[%mul3A_2, %dma_wait3A_449] : memref<10000x128xf32, #tpu.memory_space<vmem_shared>> -> memref<624x128xf32, #tpu.memory_space<vmem_shared>>
      tpu.wait_dma2 semaphore(%run_scoped3A : memref<!tpu.dma_semaphore, #tpu.memory_space<semaphore_mem>>) src(%dma_wait3A_450 : memref<624x128xf32, #tpu.memory_space<vmem_shared>>) dst(%dma_wait3A_448 : memref<624x128xf32, #tpu.memory_space<hbm>>)
      tpu.yield
    }) : () -> ()
    %eq3A_438 = arith.constant 15 : i32
    %eq3A_439 = arith.cmpi eq, %arg1, %eq3A_438 : i32
    %convert_element_type3A_440 = arith.extui %eq3A_439 : i1 to i32
    %cond3A_441 = arith.constant 0 : i32
    %cond3A_442 = arith.cmpi ne, %convert_element_type3A_440, %cond3A_441 : i32
    scf.if %cond3A_442 {
      %mul3A_443 = arith.constant 10000 : i32
      %mul3A_444 = arith.muli %arg0, %mul3A_443 : i32
      %add3A_445 = arith.constant 9984 : i32
      %add3A_446 = arith.addi %mul3A_444, %add3A_445 : i32
      "tpu.region"() ({
        %run_scoped3A = tpu.sem_alloc : memref<!tpu.dma_semaphore, #tpu.memory_space<semaphore_mem>>
        %dma_start3A_447 = arith.constant 0 : i32
        %dma_start3A_448 = tpu.memref_slice %arg6[%add3A_446, %dma_start3A_447] : memref<20000x128xf32, #tpu.memory_space<hbm>> -> memref<16x128xf32, #tpu.memory_space<hbm>>
        %dma_start3A_449 = arith.constant 9984 : i32
        %dma_start3A_450 = arith.constant 0 : i32
        %dma_start3A_451 = tpu.memref_slice %arg7[%dma_start3A_449, %dma_start3A_450] : memref<10000x128xf32, #tpu.memory_space<vmem_shared>> -> memref<16x128xf32, #tpu.memory_space<vmem_shared>>
        tpu.enqueue_dma source(%dma_start3A_451 : memref<16x128xf32, #tpu.memory_space<vmem_shared>>) target(%dma_start3A_448 : memref<16x128xf32, #tpu.memory_space<hbm>>) target_semaphore(%run_scoped3A : memref<!tpu.dma_semaphore, #tpu.memory_space<semaphore_mem>>)
        %dma_wait3A_452 = arith.constant 0 : i32
        %dma_wait3A_453 = tpu.memref_slice %arg6[%add3A_446, %dma_wait3A_452] : memref<20000x128xf32, #tpu.memory_space<hbm>> -> memref<16x128xf32, #tpu.memory_space<hbm>>
        %dma_wait3A_454 = arith.constant 9984 : i32
        %dma_wait3A_455 = arith.constant 0 : i32
        %dma_wait3A_456 = tpu.memref_slice %arg7[%dma_wait3A_454, %dma_wait3A_455] : memref<10000x128xf32, #tpu.memory_space<vmem_shared>> -> memref<16x128xf32, #tpu.memory_space<vmem_shared>>
        tpu.wait_dma2 semaphore(%run_scoped3A : memref<!tpu.dma_semaphore, #tpu.memory_space<semaphore_mem>>) src(%dma_wait3A_456 : memref<16x128xf32, #tpu.memory_space<vmem_shared>>) dst(%dma_wait3A_453 : memref<16x128xf32, #tpu.memory_space<hbm>>)
        tpu.yield
      }) : () -> ()
    } else {
    }
    return
  }
}

module attributes {stable_mosaic.version = 14 : i64} {
  func.func @_gru_body(%arg0: i32, %arg1: memref<2000x128xf32, #tpu.memory_space<vmem>>, %arg2: memref<2000x128xf32, #tpu.memory_space<vmem>>, %arg3: memref<2000x128xf32, #tpu.memory_space<vmem>>, %arg4: memref<128x384xf32, #tpu.memory_space<vmem>>, %arg5: memref<128x384xf32, #tpu.memory_space<vmem>>, %arg6: memref<1x384xf32, #tpu.memory_space<vmem>>, %arg7: memref<1x384xf32, #tpu.memory_space<vmem>>, %arg8: memref<2000x128xf32, #tpu.memory_space<vmem>>) attributes {dimension_semantics = [#tpu.dimension_semantics<arbitrary>], iteration_bounds = array<i64: 5>, scalar_prefetch = 0 : i64, scratch_operands = 0 : i64, tpu.core_type = #tpu.core_type<tc>, window_params = [{transform_indices = @transform_0, window_bounds = array<i64: 2000, 128>}, {transform_indices = @transform_1, window_bounds = array<i64: 2000, 128>}, {transform_indices = @transform_2, window_bounds = array<i64: 2000, 128>}, {pipeline_mode = #tpu.pipeline_mode<synchronous>, transform_indices = @transform_3, window_bounds = array<i64: 128, 384>}, {pipeline_mode = #tpu.pipeline_mode<synchronous>, transform_indices = @transform_4, window_bounds = array<i64: 128, 384>}, {pipeline_mode = #tpu.pipeline_mode<synchronous>, transform_indices = @transform_5, window_bounds = array<i64: 1, 384>}, {pipeline_mode = #tpu.pipeline_mode<synchronous>, transform_indices = @transform_6, window_bounds = array<i64: 1, 384>}, {transform_indices = @transform_7, window_bounds = array<i64: 2000, 128>}]} {
    %get3A = arith.constant 0 : index
    %get3A_0 = arith.constant 0 : index
    %get3A_1 = vector.load %arg1[%get3A, %get3A_0] : memref<2000x128xf32, #tpu.memory_space<vmem>>, vector<2000x128xf32>
    %get3A_2 = arith.constant 0 : index
    %get3A_3 = arith.constant 0 : index
    %get3A_4 = vector.load %arg2[%get3A_2, %get3A_3] : memref<2000x128xf32, #tpu.memory_space<vmem>>, vector<2000x128xf32>
    %add3A = arith.addf %get3A_1, %get3A_4 : vector<2000x128xf32>
    %get3A_5 = arith.constant 0 : index
    %get3A_6 = arith.constant 0 : index
    %get3A_7 = vector.load %arg3[%get3A_5, %get3A_6] : memref<2000x128xf32, #tpu.memory_space<vmem>>, vector<2000x128xf32>
    %get3A_8 = arith.constant 0 : index
    %get3A_9 = arith.constant 0 : index
    %get3A_10 = vector.load %arg4[%get3A_8, %get3A_9] : memref<128x384xf32, #tpu.memory_space<vmem>>, vector<128x384xf32>
    %dot_general3A = arith.constant dense<0.000000e+00> : vector<2000x384xf32>
    %dot_general3A_11 = tpu.matmul %add3A, %get3A_10, %dot_general3A {dimension_numbers = #tpu.dot_dimension_numbers<[1], [0], [0], [1], [0, 0, 1, 1], [], []>, transpose_lhs_hint = false} : vector<2000x128xf32>, vector<128x384xf32>, vector<2000x384xf32> -> vector<2000x384xf32>
    %get3A_12 = arith.constant 0 : index
    %get3A_13 = arith.constant 0 : index
    %get3A_14 = vector.load %arg6[%get3A_12, %get3A_13] : memref<1x384xf32, #tpu.memory_space<vmem>>, vector<1x384xf32>
    %add3A_15 = vector.broadcast %get3A_14 : vector<1x384xf32> to vector<2000x384xf32>
    %add3A_16 = arith.addf %dot_general3A_11, %add3A_15 : vector<2000x384xf32>
    %get3A_17 = arith.constant 0 : index
    %get3A_18 = arith.constant 0 : index
    %get3A_19 = vector.load %arg5[%get3A_17, %get3A_18] : memref<128x384xf32, #tpu.memory_space<vmem>>, vector<128x384xf32>
    %dot_general3A_20 = arith.constant dense<0.000000e+00> : vector<2000x384xf32>
    %dot_general3A_21 = tpu.matmul %get3A_7, %get3A_19, %dot_general3A_20 {dimension_numbers = #tpu.dot_dimension_numbers<[1], [0], [0], [1], [0, 0, 1, 1], [], []>, transpose_lhs_hint = false} : vector<2000x128xf32>, vector<128x384xf32>, vector<2000x384xf32> -> vector<2000x384xf32>
    %get3A_22 = arith.constant 0 : index
    %get3A_23 = arith.constant 0 : index
    %get3A_24 = vector.load %arg7[%get3A_22, %get3A_23] : memref<1x384xf32, #tpu.memory_space<vmem>>, vector<1x384xf32>
    %add3A_25 = vector.broadcast %get3A_24 : vector<1x384xf32> to vector<2000x384xf32>
    %add3A_26 = arith.addf %dot_general3A_21, %add3A_25 : vector<2000x384xf32>
    %slice3A = vector.extract_strided_slice %add3A_16 {offsets = [0, 0], sizes = [2000, 128], strides = [1, 1]} : vector<2000x384xf32> to vector<2000x128xf32>
    %slice3A_27 = vector.extract_strided_slice %add3A_16 {offsets = [0, 128], sizes = [2000, 128], strides = [1, 1]} : vector<2000x384xf32> to vector<2000x128xf32>
    %slice3A_28 = vector.extract_strided_slice %add3A_16 {offsets = [0, 256], sizes = [2000, 128], strides = [1, 1]} : vector<2000x384xf32> to vector<2000x128xf32>
    %slice3A_29 = vector.extract_strided_slice %add3A_26 {offsets = [0, 0], sizes = [2000, 128], strides = [1, 1]} : vector<2000x384xf32> to vector<2000x128xf32>
    %slice3A_30 = vector.extract_strided_slice %add3A_26 {offsets = [0, 128], sizes = [2000, 128], strides = [1, 1]} : vector<2000x384xf32> to vector<2000x128xf32>
    %slice3A_31 = vector.extract_strided_slice %add3A_26 {offsets = [0, 256], sizes = [2000, 128], strides = [1, 1]} : vector<2000x384xf32> to vector<2000x128xf32>
    %add3A_32 = arith.addf %slice3A, %slice3A_29 : vector<2000x128xf32>
    %logistic3A = arith.negf %add3A_32 : vector<2000x128xf32>
    %logistic3A_33 = math.exp %logistic3A : vector<2000x128xf32>
    %logistic3A_34 = arith.constant 1.000000e+00 : f32
    %logistic3A_35 = vector.broadcast %logistic3A_34 : f32 to vector<2000x128xf32>
    %logistic3A_36 = arith.addf %logistic3A_35, %logistic3A_33 : vector<2000x128xf32>
    %logistic3A_37 = arith.divf %logistic3A_35, %logistic3A_36 : vector<2000x128xf32>
    %add3A_38 = arith.addf %slice3A_27, %slice3A_30 : vector<2000x128xf32>
    %logistic3A_39 = arith.negf %add3A_38 : vector<2000x128xf32>
    %logistic3A_40 = math.exp %logistic3A_39 : vector<2000x128xf32>
    %logistic3A_41 = arith.constant 1.000000e+00 : f32
    %logistic3A_42 = vector.broadcast %logistic3A_41 : f32 to vector<2000x128xf32>
    %logistic3A_43 = arith.addf %logistic3A_42, %logistic3A_40 : vector<2000x128xf32>
    %logistic3A_44 = arith.divf %logistic3A_42, %logistic3A_43 : vector<2000x128xf32>
    %mul3A = arith.mulf %logistic3A_44, %slice3A_31 : vector<2000x128xf32>
    %add3A_45 = arith.addf %slice3A_28, %mul3A : vector<2000x128xf32>
    %tanh3A = math.tanh %add3A_45 : vector<2000x128xf32>
    %mul3A_46 = arith.mulf %logistic3A_37, %get3A_7 : vector<2000x128xf32>
    %sub3A = arith.constant 1.000000e+00 : f32
    %sub3A_47 = vector.broadcast %sub3A : f32 to vector<2000x128xf32>
    %sub3A_48 = arith.subf %sub3A_47, %logistic3A_37 : vector<2000x128xf32>
    %mul3A_49 = arith.mulf %sub3A_48, %tanh3A : vector<2000x128xf32>
    %add3A_50 = arith.addf %mul3A_46, %mul3A_49 : vector<2000x128xf32>
    %swap3A = arith.constant 0 : index
    %swap3A_51 = arith.constant 0 : index
    %swap3A_52 = vector.load %arg8[%swap3A, %swap3A_51] : memref<2000x128xf32, #tpu.memory_space<vmem>>, vector<2000x128xf32>
    tpu.vector_store %arg8[%swap3A, %swap3A_51], %add3A_50 {strides = array<i32>} : memref<2000x128xf32, #tpu.memory_space<vmem>>, vector<2000x128xf32>,
    return
  }
  func.func @transform_0(%arg0: i32) -> (i32, i32) {
    %c0_i32 = arith.constant 0 : i32
    %c0_i32_0 = arith.constant 0 : i32
    return %arg0, %c0_i32 : i32, i32
  }
  func.func @transform_1(%arg0: i32) -> (i32, i32) {
    %add3A = arith.constant 5 : i32
    %add3A_0 = arith.addi %add3A, %arg0 : i32
    %c0_i32 = arith.constant 0 : i32
    %c0_i32_1 = arith.constant 0 : i32
    return %add3A_0, %c0_i32 : i32, i32
  }
  func.func @transform_2(%arg0: i32) -> (i32, i32) {
    %c0_i32 = arith.constant 0 : i32
    %c0_i32_0 = arith.constant 0 : i32
    return %arg0, %c0_i32 : i32, i32
  }
  func.func @transform_3(%arg0: i32) -> (i32, i32) {
    %c0_i32 = arith.constant 0 : i32
    %c0_i32_0 = arith.constant 0 : i32
    %c0_i32_1 = arith.constant 0 : i32
    return %c0_i32, %c0_i32_0 : i32, i32
  }
  func.func @transform_4(%arg0: i32) -> (i32, i32) {
    %c0_i32 = arith.constant 0 : i32
    %c0_i32_0 = arith.constant 0 : i32
    %c0_i32_1 = arith.constant 0 : i32
    return %c0_i32, %c0_i32_0 : i32, i32
  }
  func.func @transform_5(%arg0: i32) -> (i32, i32) {
    %c0_i32 = arith.constant 0 : i32
    %c0_i32_0 = arith.constant 0 : i32
    %c0_i32_1 = arith.constant 0 : i32
    return %c0_i32, %c0_i32_0 : i32, i32
  }
  func.func @transform_6(%arg0: i32) -> (i32, i32) {
    %c0_i32 = arith.constant 0 : i32
    %c0_i32_0 = arith.constant 0 : i32
    %c0_i32_1 = arith.constant 0 : i32
    return %c0_i32, %c0_i32_0 : i32, i32
  }
  func.func @transform_7(%arg0: i32) -> (i32, i32) {
    %c0_i32 = arith.constant 0 : i32
    %c0_i32_0 = arith.constant 0 : i32
    return %arg0, %c0_i32 : i32, i32
  }
}

module attributes {stable_mosaic.version = 14 : i64} {
  func.func @_dense_body(%arg0: i32, %arg1: memref<2000x128xf32, #tpu.memory_space<vmem>>, %arg2: memref<128x128xf32, #tpu.memory_space<vmem>>, %arg3: memref<1x128xf32, #tpu.memory_space<vmem>>, %arg4: memref<128x128xf32, #tpu.memory_space<vmem>>, %arg5: memref<1x128xf32, #tpu.memory_space<vmem>>, %arg6: memref<2000x128xf32, #tpu.memory_space<vmem>>) attributes {dimension_semantics = [#tpu.dimension_semantics<arbitrary>], iteration_bounds = array<i64: 5>, scalar_prefetch = 0 : i64, scratch_operands = 0 : i64, tpu.core_type = #tpu.core_type<tc>, window_params = [{transform_indices = @transform_0, window_bounds = array<i64: 2000, 128>}, {pipeline_mode = #tpu.pipeline_mode<synchronous>, transform_indices = @transform_1, window_bounds = array<i64: 128, 128>}, {pipeline_mode = #tpu.pipeline_mode<synchronous>, transform_indices = @transform_2, window_bounds = array<i64: 1, 128>}, {pipeline_mode = #tpu.pipeline_mode<synchronous>, transform_indices = @transform_3, window_bounds = array<i64: 128, 128>}, {pipeline_mode = #tpu.pipeline_mode<synchronous>, transform_indices = @transform_4, window_bounds = array<i64: 1, 128>}, {transform_indices = @transform_5, window_bounds = array<i64: 2000, 128>}]} {
    %get3A = arith.constant 0 : index
    %get3A_0 = arith.constant 0 : index
    %get3A_1 = vector.load %arg1[%get3A, %get3A_0] : memref<2000x128xf32, #tpu.memory_space<vmem>>, vector<2000x128xf32>
    %get3A_2 = arith.constant 0 : index
    %get3A_3 = arith.constant 0 : index
    %get3A_4 = vector.load %arg2[%get3A_2, %get3A_3] : memref<128x128xf32, #tpu.memory_space<vmem>>, vector<128x128xf32>
    %dot_general3A = arith.constant dense<0.000000e+00> : vector<2000x128xf32>
    %dot_general3A_5 = tpu.matmul %get3A_1, %get3A_4, %dot_general3A {dimension_numbers = #tpu.dot_dimension_numbers<[1], [0], [0], [1], [0, 0, 1, 1], [], []>, transpose_lhs_hint = false} : vector<2000x128xf32>, vector<128x128xf32>, vector<2000x128xf32> -> vector<2000x128xf32>
    %get3A_6 = arith.constant 0 : index
    %get3A_7 = arith.constant 0 : index
    %get3A_8 = vector.load %arg3[%get3A_6, %get3A_7] : memref<1x128xf32, #tpu.memory_space<vmem>>, vector<1x128xf32>
    %add3A = vector.broadcast %get3A_8 : vector<1x128xf32> to vector<2000x128xf32>
    %add3A_9 = arith.addf %dot_general3A_5, %add3A : vector<2000x128xf32>
    %get3A_10 = arith.constant 0 : index
    %get3A_11 = arith.constant 0 : index
    %get3A_12 = vector.load %arg4[%get3A_10, %get3A_11] : memref<128x128xf32, #tpu.memory_space<vmem>>, vector<128x128xf32>
    %dot_general3A_13 = arith.constant dense<0.000000e+00> : vector<2000x128xf32>
    %dot_general3A_14 = tpu.matmul %add3A_9, %get3A_12, %dot_general3A_13 {dimension_numbers = #tpu.dot_dimension_numbers<[1], [0], [0], [1], [0, 0, 1, 1], [], []>, transpose_lhs_hint = false} : vector<2000x128xf32>, vector<128x128xf32>, vector<2000x128xf32> -> vector<2000x128xf32>
    %get3A_15 = arith.constant 0 : index
    %get3A_16 = arith.constant 0 : index
    %get3A_17 = vector.load %arg5[%get3A_15, %get3A_16] : memref<1x128xf32, #tpu.memory_space<vmem>>, vector<1x128xf32>
    %add3A_18 = vector.broadcast %get3A_17 : vector<1x128xf32> to vector<2000x128xf32>
    %add3A_19 = arith.addf %dot_general3A_14, %add3A_18 : vector<2000x128xf32>
    %swap3A = arith.constant 0 : index
    %swap3A_20 = arith.constant 0 : index
    %swap3A_21 = vector.load %arg6[%swap3A, %swap3A_20] : memref<2000x128xf32, #tpu.memory_space<vmem>>, vector<2000x128xf32>
    tpu.vector_store %arg6[%swap3A, %swap3A_20], %add3A_19 {strides = array<i32>} : memref<2000x128xf32, #tpu.memory_space<vmem>>, vector<2000x128xf32>,
    return
  }
  func.func @transform_0(%arg0: i32) -> (i32, i32) {
    %c0_i32 = arith.constant 0 : i32
    %c0_i32_0 = arith.constant 0 : i32
    return %arg0, %c0_i32 : i32, i32
  }
  func.func @transform_1(%arg0: i32) -> (i32, i32) {
    %c0_i32 = arith.constant 0 : i32
    %c0_i32_0 = arith.constant 0 : i32
    %c0_i32_1 = arith.constant 0 : i32
    return %c0_i32, %c0_i32_0 : i32, i32
  }
  func.func @transform_2(%arg0: i32) -> (i32, i32) {
    %c0_i32 = arith.constant 0 : i32
    %c0_i32_0 = arith.constant 0 : i32
    %c0_i32_1 = arith.constant 0 : i32
    return %c0_i32, %c0_i32_0 : i32, i32
  }
  func.func @transform_3(%arg0: i32) -> (i32, i32) {
    %c0_i32 = arith.constant 0 : i32
    %c0_i32_0 = arith.constant 0 : i32
    %c0_i32_1 = arith.constant 0 : i32
    return %c0_i32, %c0_i32_0 : i32, i32
  }
  func.func @transform_4(%arg0: i32) -> (i32, i32) {
    %c0_i32 = arith.constant 0 : i32
    %c0_i32_0 = arith.constant 0 : i32
    %c0_i32_1 = arith.constant 0 : i32
    return %c0_i32, %c0_i32_0 : i32, i32
  }
  func.func @transform_5(%arg0: i32) -> (i32, i32) {
    %c0_i32 = arith.constant 0 : i32
    %c0_i32_0 = arith.constant 0 : i32
    return %arg0, %c0_i32 : i32, i32
  }
}

</mosaic_0001>

<sc_bundles>
// kernel: kernel.5.cloned.1.call-start
scs
__scs_entry_jumppad:
0x0: {  	(pc) =	sbr.rel $0x88, $3  }
0x1: {  	(tag) =	ssettag $0x0;
	lr =	simm.s32 $0x1  }
0x2: {  	[smem:$0x3F97] =	sst lr;
	_ =	strace $0xD0000000  }
0x3: {  	_ = 	snop  }
0x4: {  	_ = 	snop  }
0x5: {  	_ = 	snop  }
0x6: {  	_ = 	snop  }
0x7: {  	_ = 	snop  }
__scs_overlays_trampoline_lowered:
0x8: {  	[smem:$0x3FA6] =	sst s0  }
0x9: {  	[smem:$0x3FA7] =	sst s1  }
0xa: {  	[smem:$0x3FA8] =	sst s2  }
0xb: {  	[smem:$0x3FA9] =	sst s3  }
0xc: {  	[smem:$0x3FAA] =	sst s4  }
0xd: {  	[smem:$0x3FAB] =	sst s5  }
0xe: {  	[smem:$0x3FAC] =	sst s6  }
0xf: {  	[smem:$0x3FAD] =	sst s7  }
0x10: {  	[smem:$0x3FAE] =	sst s8  }
0x11: {  	[smem:$0x3FAF] =	sst s9;
	s0 =	simm.s32 @!p0 $0x0  }
0x12: {  	s1 =	sld [smem:$0x3F95];
	s0 =	simm.s32 @p0 $0x1  }
0x13: {  	[smem:$0x3FB0] =	sst s0;
	s0 =	simm.s32 @!p1 $0x0  }
0x14: {  	s2 =	sld [smem:$0x3F94];
	s0 =	simm.s32 @p1 $0x1  }
0x15: {  	[smem:$0x3FB1] =	sst s0;
	s0 =	simm.s32 @!p2 $0x0  }
0x16: {  	s3 =	sld [smem:$0x3FDB];
	s0 =	simm.s32 @p2 $0x1  }
0x17: {  	s4 =	simm.s32 $0x1BF5;
	[smem:$0x3FB3] =	sst s0  }
0x18: {  	s0 =	sld [smem:$0x3F96];
	_ =	swait.ge [sflag:s4], $0x0  }
0x19: {  	s7 =	sld [smem:$0x3F97]  }
0x1a: {  	s8 =	sadd.s32 $0xFFFFE003, lr  }
0x1b: {  	s9 =	sadd.s32 $0xFFFFFEF7, lr;
	s5 =	simm.s32 $0xFFFFFFFF;
	p2 =	slt.u32 s8, $0xFFFFF086  }
0x1c: {  	p1 =	slt.u32 s9, $0xF7A;
	s5 =	simm.s32 @!p2 $0x0  }
0x1d: {  	s5 =	simm.s32 @p1 $0x1;
	p0 =	seq.s32 s7, s2  }
0x1e: {  	s7 =	smul.u32 @!p0 $0xF7A, s2;
	p2 =	seq.s32 @!p0 s5, $0x0  }
0x1f: {  	s9 =	smul.u32 $0xF7A, s1;
	s8 =	simm.s32 @!p0 $0x1BF5;
	p2 =	por !p2, p0  }
0x20: {  	[sflag:s8] =	ssyncset.s32 @!p0 $0xFFFFF086;
	s6 =	sadd.s32 @!p0 s3, s7;
	s7 =	simm.s32 @!p0 $0x108  }
0x21: {  	s3 =	sadd.s32 s3, s9;
	s6 =	sadd.s32 @!p0 $0x88, s6;
	s7 =	simm.s32 @p2 $0x1082  }
0x22: {  	[simem:s7], [sflag:s8] =	dma.local @!p0 [hbm:s6], $0xF7A  }
0x23: {  	s9 =	sor.u32 $0xD0000000, s2;
	s6 =	simm.s32 $0x108;
	_ =	swait.ge @!p0 [sflag:s8], $0x0  }
0x24: {  	s3 =	sadd.s32 $0x88, s3;
	s6 =	simm.s32 @!p1 $0x1082;
	[sflag:s4] =	ssyncset.s32 $0xFFFFF086  }
0x25: {  	[simem:s6], [sflag:s4] =	dma.local [hbm:s3], $0xF7A  }
0x26: {  	[smem:$0x3F97] =	sst s1;
	(tag) =	ssettag s2;
	_ =	strace s9  }
0x27: {  	s1 =	sld [smem:$0x3FA7]  }
0x28: {  	s2 =	sld [smem:$0x3FA8]  }
0x29: {  	s4 =	sld [smem:$0x3FAA]  }
0x2a: {  	p0 =	seq.s32 s5, $0x0;
	s5 =	sld [smem:$0x3FAB]  }
0x2b: {  	s6 =	sld [smem:$0x3FAC]  }
0x2c: {  	s7 =	sld [smem:$0x3FAD]  }
0x2d: {  	s3 =	simm.s32 $0x108;
	s8 =	sld [smem:$0x3FAE]  }
0x2e: {  	s3 =	simm.s32 @!p0 $0x1082;
	s9 =	sld [smem:$0x3FAF]  }
0x2f: {  	lr =	sadd.s32 s0, s3;
	s0 =	sld [smem:$0x3FA6]  }
0x30: {  	s3 =	sld [smem:$0x3FA9]  }
0x31: {  	[smem:$0x3FB2] =	sst s10  }
0x32: {  	s10 =	sld [smem:$0x3FB0];
	_ =	sdelay $0x3  }
0x33: {  	p0 =	seq.s32 s10, $0x1;
	s10 =	sld [smem:$0x3FB2];
	_ =	sdelay $0x3  }
0x34: {  	[smem:$0x3FB2] =	sst s10  }
0x35: {  	s10 =	sld [smem:$0x3FB1];
	_ =	sdelay $0x3  }
0x36: {  	p1 =	seq.s32 s10, $0x1;
	s10 =	sld [smem:$0x3FB2];
	_ =	sdelay $0x3  }
0x37: {  	[smem:$0x3FB2] =	sst s10  }
0x38: {  	s10 =	sld [smem:$0x3FB3]  }
0x39: {  	_ = 	snop;
	(pc) =	sbr.ind lr, $3  }
0x3a: {  	_ = 	snop  }
0x3b: {  	_ = 	snop  }
0x3c: {  	p2 =	seq.s32 s10, $0x1;
	s10 =	sld [smem:$0x3FB2]  }
0x3d: {  	_ =	shalt  }
0x3e: {  	_ =	shalt  }
0x3f: {  	_ =	shalt  }
0x40: {  	_ =	shalt  }
0x41: {  	_ =	shalt  }
0x42: {  	_ =	shalt  }
0x43: {  	_ =	shalt  }
0x44: {  	_ =	shalt  }
0x45: {  	_ =	shalt  }
0x46: {  	_ =	shalt  }
0x47: {  	_ =	shalt  }
0x48: {  	_ =	shalt  }
0x49: {  	_ =	shalt  }
0x4a: {  	_ =	shalt  }
0x4b: {  	_ =	shalt  }
0x4c: {  	_ =	shalt  }
0x4d: {  	_ =	shalt  }
0x4e: {  	_ =	shalt  }
0x4f: {  	_ =	shalt  }
0x50: {  	_ =	shalt  }
0x51: {  	_ =	shalt  }
0x52: {  	_ =	shalt  }
0x53: {  	_ =	shalt  }
0x54: {  	_ =	shalt  }
0x55: {  	_ =	shalt  }
0x56: {  	_ =	shalt  }
0x57: {  	_ =	shalt  }
0x58: {  	_ =	shalt  }
0x59: {  	_ =	shalt  }
0x5a: {  	_ =	shalt  }
0x5b: {  	_ =	shalt  }
0x5c: {  	_ =	shalt  }
0x5d: {  	_ =	shalt  }
0x5e: {  	_ =	shalt  }
0x5f: {  	_ =	shalt  }
0x60: {  	_ =	shalt  }
0x61: {  	_ =	shalt  }
0x62: {  	_ =	shalt  }
0x63: {  	_ =	shalt  }
0x64: {  	_ =	shalt  }
0x65: {  	_ =	shalt  }
0x66: {  	_ =	shalt  }
0x67: {  	_ =	shalt  }
0x68: {  	_ =	shalt  }
0x69: {  	_ =	shalt  }
0x6a: {  	_ =	shalt  }
0x6b: {  	_ =	shalt  }
0x6c: {  	_ =	shalt  }
0x6d: {  	_ =	shalt  }
0x6e: {  	_ =	shalt  }
0x6f: {  	_ =	shalt  }
0x70: {  	_ =	shalt  }
0x71: {  	_ =	shalt  }
0x72: {  	_ =	shalt  }
0x73: {  	_ =	shalt  }
0x74: {  	_ =	shalt  }
0x75: {  	_ =	shalt  }
0x76: {  	_ =	shalt  }
0x77: {  	_ =	shalt  }
0x78: {  	_ =	shalt  }
0x79: {  	_ =	shalt  }
0x7a: {  	_ =	shalt  }
0x7b: {  	_ =	shalt  }
0x7c: {  	_ =	shalt  }
0x7d: {  	_ =	shalt  }
0x7e: {  	_ =	shalt  }
0x7f: {  	_ =	shalt  }
0x80: {  	_ =	shalt  }
0x81: {  	_ =	shalt  }
0x82: {  	_ =	shalt  }
0x83: {  	_ =	shalt  }
0x84: {  	_ =	shalt  }
0x85: {  	_ =	shalt  }
0x86: {  	_ =	shalt  }
0x87: {  	_ =	shalt  }
.Lfunc_end0:
.L_simem_size_0:
called_computation_lowered:
.L_overlay_start_0:
0x88: {  	s2 =	sld [smem:$0x3FD9]  }
0x89: {  	s3 =	sld [smem:$0x3FFE];
	_ =	sdelay $0x1  }
0x8a: {  	s1 =	srdreg.scid  }
0x8b: {  	s0 =	sand.u32 $0x1, s1  }
0x8c: {  	s17 =	sshll.u32 s0, $0xA;
	s2 =	sadd.s32 s3, s2  }
0x8d: {  	s2 =	sadd.s32 s2, s17  }
0x8e: {  	[smem:$0x3FBE] =	sst s2  }
0x8f: {  	_ = 	snop  }
0x90: {  	s2 =	sld [smem:$0x3FC8]  }
0x91: {  	s18 =	sld [smem:$0x3FC7]  }
0x92: {  	s4 =	sld [smem:$0x3FD0];
	(tm) =	ssettm $0x1  }
0x93: {  	s5 =	sld [smem:$0x3FFB];
	_ =	sdelay $0x3  }
0x94: {  	_ =	strace s5  }
0x95: {  	s5 =	sld [smem:$0x3FFC];
	_ =	sdelay $0x3  }
0x96: {  	_ =	strace s5  }
0x97: {  	s5 =	sld [smem:$0x3FFD];
	_ =	sdelay $0x3  }
0x98: {  	_ =	strace s5  }
0x99: {  	_ =	strace $0x8FFFFFFF  }
0x9a: {  	s19 =	sld [smem:$0x3FDB];
	_ =	sdelay $0x1  }
0x9b: {  	s6 =	simm.s32 $_scs_section_size  }
0x9c: {  	s7 =	simm.s32 $_size__tile_overlayer_lowered;
	s8 =	simm.s32 $_tile_overlayer_lowered  }
0x9d: {  	s22 =	simm.s32 $0x1BFF;
	s21 =	sshll.u32 s8, $0x1;
	s5 =	sadd.s32 s6, s19  }
0x9e: {  	s9 =	simm.s32 $0x0;
	s20 =	sshll.u32 s7, $0x1;
	s7 =	sadd.s32 s21, s5  }
0x9f: {  	[timem:s9], [sflag:s22] =	dma.local [hbm:s7], s20  }
0xa0: {  	_ =	swait.ge [sflag:s22], s20  }
0xa1: {  	s6 =	ssub.s32 $0x0, s20;
	[sflag:s22] =	ssyncset.done $0x0  }
0xa2: {  	[sflag:s22] =	ssyncadd.s32 s6;
	_ =	sdelay $0x1  }
0xa3: {  	s23 =	simm.s32 $0x1B8B  }
0xa4: {  	_ =	swait.ge [sflag:s23], $0x1  }
0xa5: {  	[sflag:s23] =	ssyncset.done $0x0  }
0xa6: {  	s25 =	simm.s32 $0x1B8E;
	s24 =	sld [smem:$0x3FFE];
	[sflag:s23] =	ssyncadd.s32 $0xFFFFFFFF  }
0xa7: {  	s26 =	simm.s32 $execute0_lowered;
	[smem:$0x3FD2] =	sst s25  }
0xa8: {  	s7 =	sshll.u32 s26, $0x1;
	_ =	strace $0x80000046;
	[dreg:$0x1] =	wrdreg $0xFFFFFFFF  }
0xa9: {  	s28 =	simm.s32 $_size_execute0_lowered;
	s5 =	sadd.s32 s5, s7;
	[dreg:$0x0] =	wrdreg $0x0  }
0xaa: {  	s7 =	sshll.u32 s28, $0x1;
	[dreg:$0x2] =	wrdreg s5  }
0xab: {  	[dreg:$0x3] =	wrdreg s7  }
0xac: {  	[dreg:$0x4] =	wrdreg $0xC0  }
0xad: {  	_ =	task [dreg:s9], $0x5FFFF  }
0xae: {  	[dreg:$0x1] =	wrdreg $0xFFFFFFFF  }
0xaf: {  	[dreg:$0x0] =	wrdreg $0x60  }
0xb0: {  	[dreg:$0x2] =	wrdreg s4  }
0xb1: {  	[dreg:$0x3] =	wrdreg s2  }
0xb2: {  	[dreg:$0x4] =	wrdreg s18  }
0xb3: {  	[dreg:$0x5] =	wrdreg s24  }
0xb4: {  	[dreg:$0x6] =	wrdreg $0x0  }
0xb5: {  	[dreg:$0x7] =	wrdreg $0x9  }
0xb6: {  	_ =	task.clear_ibuf [dreg:s9], $0x8FFFF;
	_ =	strace $0x90000046  }
0xb7: {  	s29 =	simm.s32 $0x9;
	_ =	strace $0x80000048  }
0xb8: {  	_ =	swait.ge [sflag:s29], $0x1  }
0xb9: {  	[sflag:s29] =	ssyncadd.s32 $0xFFFFFFFF  }
0xba: {  	_ =	strace $0x90000048  }
0xbb: {  	_ =	sfence  }
0xbc: {  	s30 =	sld [smem:$0x0];
	_ =	sdelay $0x2  }
0xbd: {  	s31 =	sshll.u32 s1, $0xD;
	s1 =	sshrl.u32 s1, $0x2  }
0xbe: {  	s3 =	sand.u32 $0x4000, s31;
	s1 =	sadd.s32 s1, s30  }
0xbf: {  	s0 =	sor.u32 s3, s0;
	s1 =	sshll.u32 s1, $0x11  }
0xc0: {  	s0 =	sor.u32 s1, s0  }
0xc1: {  	s0 =	sadd.s32 $0x8F2B, s0  }
0xc2: {  	[sflag:s0] =	ssyncadd.remote.s32 $0x1  }
0xc3: {  	_ =	sfence.sel $0xFFFF  }
0xc4: {  	[dreg:$0x0] =	wrdreg $0xFFFFFFFF;
	(pc) =	sbr.abs _section_cstart, $3  }
0xc5: {  	[dreg:$0x1] =	wrdreg $0xFFFFFFFF  }
0xc6: {  	_ =	task.clear_ibuf [dreg:s9], $0x2FFFF;
	_ =	strace $0x9FFFFFFF  }
0xc7: {  	(tm) =	ssettm $0x7FFFFFFF  }
tec
execute0_lowered:
.L_overlay_start_1:
0x0: {  	(tag) =	ssettag $0x1  }
0x1: {  	s1 =	rddreg [dreg:$0x0]  }
0x2: {  	s0 =	rddreg [dreg:$0x1]  }
0x3: {  	s2 =	rddreg [dreg:$0x2]  }
0x4: {  	s4 =	rddreg [dreg:$0x3]  }
0x5: {  	s3 =	rddreg [dreg:$0x4]  }
0x6: {  	s5 =	simm.s32 $0x0;
	s13 =	stileid.u32;
	s6 =	srdreg.scid  }
0x7: {  	s15 =	simm.s32 $0x13880;
	s16 =	simm.s32 $0x16000;
	s18 =	simm.s32 $0x1  }
0x8: {  	s29 =	simm.s32 $0x1D780;
	s31 =	simm.s32 $0x1EB80;
	s30 =	simm.s32 $0x7  }
0x9: {  	s28 =	simm.s32 $0xD;
	[smem:$0x7FF] =	sst s5;
	s19 =	smul.u32 $0x2700, s13  }
0xa: {  	s6 =	sand.u32 $0x1, s6;
	s8 =	smul.u32 $0x4E000, s13;
	s9 =	sadd.s32 $0x29400, s4  }
0xb: {  	s20 =	sshll.u32 s13, $0x6;
	p0 =	sne.s32 s13, $0xF;
	_ =	strace $0x80000047  }
0xc: {  	s10 =	ssub.s32 $0x2, s6;
	s11 =	sshll.u32 s6, $0x4;
	s21 =	smul.u32 $0x138800, s6  }
0xd: {  	[dreg:$0x7] =	wrdreg s20;
	s22 =	smul.u32 $0x27100, s6;
	s6 =	simm.s32 $0x0  }
0xe: {  	s7 =	sadd.s32 s19, s4;
	s12 =	sshrl.u32 s10, $0x1;
	s8 =	sshrl.u32 s8, $0x2  }
0xf: {  	s11 =	sor.u32 s13, s11;
	s4 =	sadd.s32 $0x29200, s4;
	s13 =	simm.s32 $0x6  }
0x10: {  	s10 =	ssub.s32 s10, s12;
	s8 =	sadd.s32 s8, s3;
	s11 =	smul.u32 $0x4E2, s11  }
0x11: {  	s7 =	sadd.s32 $0x2200, s7;
	s12 =	sor.u32 $0x1C01, s20;
	[dreg:$0xb] =	wrdreg s4  }
0x12: {  	s23 =	sshrl.u32 s21, $0x3;
	s20 =	simm.s32 $0x18780;
	[dreg:$0x6] =	wrdreg s7  }
0x13: {  	s4 =	simm.s32 $0x3;
	s21 =	simm.s32 $0xA;
	[dreg:$0x8] =	wrdreg s12  }
0x14: {  	s24 =	sadd.s32 s9, s23;
	s26 =	smax.u32 s10, $0x1;
	s14 =	sshrl.u32 s8, $0x3  }
0x15: {  	s7 =	simm.s32 $0x8;
	s8 =	simm.s32 $0x4;
	s10 =	simm.s32 $0x9  }
0x16: {  	s12 =	simm.s32 $0x160A0;
	s23 =	simm.s32 $0xB;
	s0 =	sadd.s32 s0, s11  }
0x17: {  	s2 =	sadd.s32 s2, s11;
	s25 =	sadd.s32 $0x27000, s24;
	[dreg:$0xe] =	wrdreg s26  }
0x18: {  	s24 =	simm.s32 $0x1AF80;
	s26 =	simm.s32 $0x1C380;
	[dreg:$0x9] =	wrdreg s0  }
0x19: {  	s11 =	simm.s32 $0x5;
	[dreg:$0xa] =	wrdreg s2;
	s2 =	sadd.s32 $0x138000, s3  }
0x1a: {  	s0 =	sadd.s32 s19, s22;
	[dreg:$0xd] =	wrdreg s25;
	s19 =	simm.s32 $0x28  }
0x1b: {  	s22 =	simm.s32 $0x19B80;
	s25 =	simm.s32 $0xC;
	s0 =	sadd.s32 s9, s0  }
0x1c: {  	s17 =	sshrl.u32 @!p0 s2, $0x3;
	[dreg:$0xc] =	wrdreg s0;
	s0 =	simm.s32 $0x2  }
.LBB2_1:
0x1d: {  	s2 =	rddreg [dreg:$0x6]  }
0x1e: {  	s5 =	rddreg [dreg:$0x8]  }
0x1f: {  	[spmem:s14], [sflag:s5] =	dma.local [hbm:s2], $0x2700  }
0x20: {  	s2 =	simm.s32 $0x0;
	s5 =	rddreg [dreg:$0x9]  }
0x21: {  	[tilespmem:s15], [sflag:$0x1] =	stream.linear.gather [hbm4b:s5+s2], $0x2710, $0x38;
	[tilespmem:$0x1FF80] =	vst v63  }
0x22: {  	s9 =	rddreg [dreg:$0xa]  }
0x23: {  	[tilespmem:s16], [sflag:$0x1] =	stream.linear.gather [hbm4b:s9+s2], $0x2710, $0x38;
	[tilespmem:$0x1FF80] =	vst v63  }
0x24: {  	s5 =	rddreg [dreg:$0xb];
	s2 =	simm.s32 @!p0 $0x1FCD  }
0x25: {  	[spmem:s17], [sflag:s2] =	dma.local @!p0 [hbm:s5], $0x100  }
0x26: {  	s2 =	simm.s32 @!p0 $0xD  }
0x27: {  	_ =	swait.ge @!p0 [sflag:s2], $0x100  }
0x28: {  	[sflag:s2] =	ssyncset.done @!p0 $0x0  }
0x29: {  	[sflag:s2] =	ssyncadd.s32 @!p0 $0xFFFFFF00  }
0x2a: {  	_ =	swait.ge [sflag:s18], $0x2700  }
0x2b: {  	[sflag:s18] =	ssyncset.done $0x0  }
0x2c: {  	[sflag:s18] =	ssyncadd.s32 $0xFFFFD900  }
0x2d: {  	_ =	swait.ge [sflag:s18], $0x2710  }
0x2e: {  	[sflag:s18] =	ssyncset.done $0x0  }
0x2f: {  	[sflag:s18] =	ssyncadd.s32 $0xFFFFD8F0  }
0x30: {  	_ =	swait.ge [sflag:s18], $0x2710  }
0x31: {  	[sflag:s18] =	ssyncset.done $0x0  }
0x32: {  	[sflag:s18] =	ssyncadd.s32 $0xFFFFD8F0  }
0x33: {  	[bflag:$0x0] =	sbarrier.arrive $0xFFFF  }
0x34: {  	[tilespmem:s20], [sflag:$0x1] =	stream.indirect.gather [hbm4b:s1+s19], $0x80, s15, s19, $0xb8;
	[tilespmem:$0x1FF80] =	vst v63  }
0x35: {  	s9 =	simm.s32 $0x138A8  }
0x36: {  	[tilespmem:s22], [sflag:$0x2] =	stream.indirect.gather [hbm4b:s1+s19], $0x80, s9, s19, $0xb8;
	[tilespmem:$0x1FF80] =	vst v63  }
0x37: {  	s5 =	simm.s32 $0x138D0  }
0x38: {  	[tilespmem:s24], [sflag:$0x3] =	stream.indirect.gather [hbm4b:s1+s19], $0x80, s5, s19, $0xb8;
	[tilespmem:$0x1FF80] =	vst v63  }
0x39: {  	s9 =	simm.s32 $0x138F8  }
0x3a: {  	[tilespmem:s26], [sflag:$0x4] =	stream.indirect.gather [hbm4b:s1+s19], $0x80, s9, s19, $0xb8;
	[tilespmem:$0x1FF80] =	vst v63  }
0x3b: {  	s5 =	simm.s32 $0x13920  }
0x3c: {  	[tilespmem:s29], [sflag:$0x5] =	stream.indirect.gather [hbm4b:s1+s19], $0x80, s5, s19, $0xb8;
	[tilespmem:$0x1FF80] =	vst v63  }
0x3d: {  	_ =	swait.ge [sflag:s18], $0x1400  }
0x3e: {  	[sflag:s18] =	ssyncset.done $0x0  }
0x3f: {  	[sflag:s18] =	ssyncadd.s32 $0xFFFFEC00  }
0x40: {  	[spmem:s3] =	stream.indirect.scatter.add.f32 [tilespmem:s20], [sflag:$0x7], $0x80, s16, s19, $0xb8;
	[tilespmem:$0x1FF80] =	vst v63  }
0x41: {  	s9 =	simm.s32 $0x13948  }
0x42: {  	[tilespmem:s31], [sflag:$0x6] =	stream.indirect.gather [hbm4b:s1+s19], $0x80, s9, s19, $0xb8;
	[tilespmem:$0x1FF80] =	vst v63  }
0x43: {  	_ =	swait.ge [sflag:s0], $0x1400  }
0x44: {  	[sflag:s0] =	ssyncset.done $0x0  }
0x45: {  	s5 =	simm.s32 $0x16028;
	[sflag:s0] =	ssyncadd.s32 $0xFFFFEC00  }
0x46: {  	[spmem:s3] =	stream.indirect.scatter.add.f32 [tilespmem:s22], [sflag:$0x8], $0x80, s5, s19, $0xb8;
	[tilespmem:$0x1FF80] =	vst v63  }
0x47: {  	_ =	swait.ge [sflag:s30], $0x1400  }
0x48: {  	[sflag:s30] =	ssyncset.done $0x0  }
0x49: {  	s9 =	simm.s32 $0x13970;
	[sflag:s30] =	ssyncadd.s32 $0xFFFFEC00  }
0x4a: {  	[tilespmem:s20], [sflag:$0x1] =	stream.indirect.gather [hbm4b:s1+s19], $0x80, s9, s19, $0xb8;
	[tilespmem:$0x1FF80] =	vst v63  }
0x4b: {  	_ =	swait.ge [sflag:s4], $0x1400  }
0x4c: {  	[sflag:s4] =	ssyncset.done $0x0  }
0x4d: {  	s5 =	simm.s32 $0x16050;
	[sflag:s4] =	ssyncadd.s32 $0xFFFFEC00  }
0x4e: {  	[spmem:s3] =	stream.indirect.scatter.add.f32 [tilespmem:s24], [sflag:$0x9], $0x80, s5, s19, $0xb8;
	[tilespmem:$0x1FF80] =	vst v63  }
0x4f: {  	_ =	swait.ge [sflag:s7], $0x1400  }
0x50: {  	[sflag:s7] =	ssyncset.done $0x0  }
0x51: {  	s9 =	simm.s32 $0x13998;
	[sflag:s7] =	ssyncadd.s32 $0xFFFFEC00  }
0x52: {  	[tilespmem:s22], [sflag:$0x2] =	stream.indirect.gather [hbm4b:s1+s19], $0x80, s9, s19, $0xb8;
	[tilespmem:$0x1FF80] =	vst v63  }
0x53: {  	_ =	swait.ge [sflag:s8], $0x1400  }
0x54: {  	[sflag:s8] =	ssyncset.done $0x0  }
0x55: {  	s5 =	simm.s32 $0x16078;
	[sflag:s8] =	ssyncadd.s32 $0xFFFFEC00  }
0x56: {  	[spmem:s3] =	stream.indirect.scatter.add.f32 [tilespmem:s26], [sflag:$0xA], $0x80, s5, s19, $0xb8;
	[tilespmem:$0x1FF80] =	vst v63  }
0x57: {  	_ =	swait.ge [sflag:s10], $0x1400  }
0x58: {  	[sflag:s10] =	ssyncset.done $0x0  }
0x59: {  	s9 =	simm.s32 $0x139C0;
	[sflag:s10] =	ssyncadd.s32 $0xFFFFEC00  }
0x5a: {  	[tilespmem:s24], [sflag:$0x3] =	stream.indirect.gather [hbm4b:s1+s19], $0x80, s9, s19, $0xb8;
	[tilespmem:$0x1FF80] =	vst v63  }
0x5b: {  	_ =	swait.ge [sflag:s11], $0x1400  }
0x5c: {  	[sflag:s11] =	ssyncset.done $0x0  }
0x5d: {  	[sflag:s11] =	ssyncadd.s32 $0xFFFFEC00  }
0x5e: {  	[spmem:s3] =	stream.indirect.scatter.add.f32 [tilespmem:s29], [sflag:$0xB], $0x80, s12, s19, $0xb8;
	[tilespmem:$0x1FF80] =	vst v63  }
0x5f: {  	_ =	swait.ge [sflag:s21], $0x1400  }
0x60: {  	[sflag:s21] =	ssyncset.done $0x0  }
0x61: {  	s5 =	simm.s32 $0x139E8;
	[sflag:s21] =	ssyncadd.s32 $0xFFFFEC00  }
0x62: {  	[tilespmem:s26], [sflag:$0x4] =	stream.indirect.gather [hbm4b:s1+s19], $0x80, s5, s19, $0xb8;
	[tilespmem:$0x1FF80] =	vst v63  }
0x63: {  	_ =	swait.ge [sflag:s13], $0x1400  }
0x64: {  	[sflag:s13] =	ssyncset.done $0x0  }
0x65: {  	s9 =	simm.s32 $0x160C8;
	[sflag:s13] =	ssyncadd.s32 $0xFFFFEC00  }
0x66: {  	[spmem:s3] =	stream.indirect.scatter.add.f32 [tilespmem:s31], [sflag:$0xC], $0x80, s9, s19, $0xb8;
	[tilespmem:$0x1FF80] =	vst v63  }
0x67: {  	_ =	swait.ge [sflag:s23], $0x1400  }
0x68: {  	[sflag:s23] =	ssyncset.done $0x0  }
0x69: {  	s5 =	simm.s32 $0x13A10;
	[sflag:s23] =	ssyncadd.s32 $0xFFFFEC00  }
0x6a: {  	[tilespmem:s29], [sflag:$0x5] =	stream.indirect.gather [hbm4b:s1+s19], $0x80, s5, s19, $0xb8;
	[tilespmem:$0x1FF80] =	vst v63  }
0x6b: {  	_ =	swait.ge [sflag:s18], $0x1400  }
0x6c: {  	[sflag:s18] =	ssyncset.done $0x0  }
0x6d: {  	s9 =	simm.s32 $0x160F0;
	[sflag:s18] =	ssyncadd.s32 $0xFFFFEC00  }
0x6e: {  	[spmem:s3] =	stream.indirect.scatter.add.f32 [tilespmem:s20], [sflag:$0x7], $0x80, s9, s19, $0xb8;
	[tilespmem:$0x1FF80] =	vst v63  }
0x6f: {  	_ =	swait.ge [sflag:s25], $0x1400  }
0x70: {  	[sflag:s25] =	ssyncset.done $0x0  }
0x71: {  	s5 =	simm.s32 $0x13A38;
	[sflag:s25] =	ssyncadd.s32 $0xFFFFEC00  }
0x72: {  	[tilespmem:s31], [sflag:$0x6] =	stream.indirect.gather [hbm4b:s1+s19], $0x80, s5, s19, $0xb8;
	[tilespmem:$0x1FF80] =	vst v63  }
0x73: {  	_ =	swait.ge [sflag:s0], $0x1400  }
0x74: {  	[sflag:s0] =	ssyncset.done $0x0  }
0x75: {  	s9 =	simm.s32 $0x16118;
	[sflag:s0] =	ssyncadd.s32 $0xFFFFEC00  }
0x76: {  	[spmem:s3] =	stream.indirect.scatter.add.f32 [tilespmem:s22], [sflag:$0x8], $0x80, s9, s19, $0xb8;
	[tilespmem:$0x1FF80] =	vst v63  }
0x77: {  	_ =	swait.ge [sflag:s30], $0x1400  }
0x78: {  	[sflag:s30] =	ssyncset.done $0x0  }
0x79: {  	s5 =	simm.s32 $0x13A60;
	[sflag:s30] =	ssyncadd.s32 $0xFFFFEC00  }
0x7a: {  	[tilespmem:s20], [sflag:$0x1] =	stream.indirect.gather [hbm4b:s1+s19], $0x80, s5, s19, $0xb8;
	[tilespmem:$0x1FF80] =	vst v63  }
0x7b: {  	_ =	swait.ge [sflag:s4], $0x1400  }
0x7c: {  	[sflag:s4] =	ssyncset.done $0x0  }
0x7d: {  	s9 =	simm.s32 $0x16140;
	[sflag:s4] =	ssyncadd.s32 $0xFFFFEC00  }
0x7e: {  	[spmem:s3] =	stream.indirect.scatter.add.f32 [tilespmem:s24], [sflag:$0x9], $0x80, s9, s19, $0xb8;
	[tilespmem:$0x1FF80] =	vst v63  }
0x7f: {  	_ =	swait.ge [sflag:s7], $0x1400  }
0x80: {  	[sflag:s7] =	ssyncset.done $0x0  }
0x81: {  	s5 =	simm.s32 $0x13A88;
	[sflag:s7] =	ssyncadd.s32 $0xFFFFEC00  }
0x82: {  	[tilespmem:s22], [sflag:$0x2] =	stream.indirect.gather [hbm4b:s1+s19], $0x80, s5, s19, $0xb8;
	[tilespmem:$0x1FF80] =	vst v63  }
0x83: {  	_ =	swait.ge [sflag:s8], $0x1400  }
0x84: {  	[sflag:s8] =	ssyncset.done $0x0  }
0x85: {  	s9 =	simm.s32 $0x16168;
	[sflag:s8] =	ssyncadd.s32 $0xFFFFEC00  }
0x86: {  	[spmem:s3] =	stream.indirect.scatter.add.f32 [tilespmem:s26], [sflag:$0xA], $0x80, s9, s19, $0xb8;
	[tilespmem:$0x1FF80] =	vst v63  }
0x87: {  	_ =	swait.ge [sflag:s10], $0x1400  }
0x88: {  	[sflag:s10] =	ssyncset.done $0x0  }
0x89: {  	s5 =	simm.s32 $0x13AB0;
	[sflag:s10] =	ssyncadd.s32 $0xFFFFEC00  }
0x8a: {  	[tilespmem:s24], [sflag:$0x3] =	stream.indirect.gather [hbm4b:s1+s19], $0x80, s5, s19, $0xb8;
	[tilespmem:$0x1FF80] =	vst v63  }
0x8b: {  	_ =	swait.ge [sflag:s11], $0x1400  }
0x8c: {  	[sflag:s11] =	ssyncset.done $0x0  }
0x8d: {  	s9 =	simm.s32 $0x16190;
	[sflag:s11] =	ssyncadd.s32 $0xFFFFEC00  }
0x8e: {  	[spmem:s3] =	stream.indirect.scatter.add.f32 [tilespmem:s29], [sflag:$0xB], $0x80, s9, s19, $0xb8;
	[tilespmem:$0x1FF80] =	vst v63  }
0x8f: {  	_ =	swait.ge [sflag:s21], $0x1400  }
0x90: {  	[sflag:s21] =	ssyncset.done $0x0  }
0x91: {  	s2 =	simm.s32 $0x3C0;
	s5 =	simm.s32 $0x13AD8;
	[sflag:s21] =	ssyncadd.s32 $0xFFFFEC00  }
.LBB2_2:
0x92: {  	[tilespmem:s26], [sflag:$0x4] =	stream.indirect.gather [hbm4b:s1+s19], $0x80, s5, s19, $0xb8;
	[tilespmem:$0x1FF80] =	vst v63  }
0x93: {  	s5 =	smov.u32 s2  }
0x94: {  	p1 =	sne.s32 s2, $0x9240;
	s2 =	sadd.s32 $0x3C0, s2;
	_ =	swait.ge [sflag:s13], $0x1400  }
0x95: {  	s5 =	sshra.s32 s5, $0x2;
	[sflag:s13] =	ssyncset.done $0x0  }
0x96: {  	s9 =	sadd.s32 $0x160C8, s5;
	[sflag:s13] =	ssyncadd.s32 $0xFFFFEC00  }
0x97: {  	[spmem:s3] =	stream.indirect.scatter.add.f32 [tilespmem:s31], [sflag:$0xC], $0x80, s9, s19, $0xb8;
	[tilespmem:$0x1FF80] =	vst v63  }
0x98: {  	_ =	swait.ge [sflag:s23], $0x1400  }
0x99: {  	[sflag:s23] =	ssyncset.done $0x0  }
0x9a: {  	s9 =	sadd.s32 $0x13A10, s5;
	[sflag:s23] =	ssyncadd.s32 $0xFFFFEC00  }
0x9b: {  	[tilespmem:s29], [sflag:$0x5] =	stream.indirect.gather [hbm4b:s1+s19], $0x80, s9, s19, $0xb8;
	[tilespmem:$0x1FF80] =	vst v63  }
0x9c: {  	_ =	swait.ge [sflag:s18], $0x1400  }
0x9d: {  	[sflag:s18] =	ssyncset.done $0x0  }
0x9e: {  	s9 =	sadd.s32 $0x160F0, s5;
	[sflag:s18] =	ssyncadd.s32 $0xFFFFEC00  }
0x9f: {  	[spmem:s3] =	stream.indirect.scatter.add.f32 [tilespmem:s20], [sflag:$0x7], $0x80, s9, s19, $0xb8;
	[tilespmem:$0x1FF80] =	vst v63  }
0xa0: {  	_ =	swait.ge [sflag:s25], $0x1400  }
0xa1: {  	[sflag:s25] =	ssyncset.done $0x0  }
0xa2: {  	s9 =	sadd.s32 $0x13A38, s5;
	[sflag:s25] =	ssyncadd.s32 $0xFFFFEC00  }
0xa3: {  	[tilespmem:s31], [sflag:$0x6] =	stream.indirect.gather [hbm4b:s1+s19], $0x80, s9, s19, $0xb8;
	[tilespmem:$0x1FF80] =	vst v63  }
0xa4: {  	_ =	swait.ge [sflag:s0], $0x1400  }
0xa5: {  	[sflag:s0] =	ssyncset.done $0x0  }
0xa6: {  	s9 =	sadd.s32 $0x16118, s5;
	[sflag:s0] =	ssyncadd.s32 $0xFFFFEC00  }
0xa7: {  	[spmem:s3] =	stream.indirect.scatter.add.f32 [tilespmem:s22], [sflag:$0x8], $0x80, s9, s19, $0xb8;
	[tilespmem:$0x1FF80] =	vst v63  }
0xa8: {  	_ =	swait.ge [sflag:s30], $0x1400  }
0xa9: {  	[sflag:s30] =	ssyncset.done $0x0  }
0xaa: {  	s9 =	sadd.s32 $0x13A60, s5;
	[sflag:s30] =	ssyncadd.s32 $0xFFFFEC00  }
0xab: {  	[tilespmem:s20], [sflag:$0x1] =	stream.indirect.gather [hbm4b:s1+s19], $0x80, s9, s19, $0xb8;
	[tilespmem:$0x1FF80] =	vst v63  }
0xac: {  	_ =	swait.ge [sflag:s4], $0x1400  }
0xad: {  	[sflag:s4] =	ssyncset.done $0x0  }
0xae: {  	s9 =	sadd.s32 $0x16140, s5;
	[sflag:s4] =	ssyncadd.s32 $0xFFFFEC00  }
0xaf: {  	[spmem:s3] =	stream.indirect.scatter.add.f32 [tilespmem:s24], [sflag:$0x9], $0x80, s9, s19, $0xb8;
	[tilespmem:$0x1FF80] =	vst v63  }
0xb0: {  	_ =	swait.ge [sflag:s7], $0x1400  }
0xb1: {  	[sflag:s7] =	ssyncset.done $0x0  }
0xb2: {  	s9 =	sadd.s32 $0x13A88, s5;
	[sflag:s7] =	ssyncadd.s32 $0xFFFFEC00  }
0xb3: {  	[tilespmem:s22], [sflag:$0x2] =	stream.indirect.gather [hbm4b:s1+s19], $0x80, s9, s19, $0xb8;
	[tilespmem:$0x1FF80] =	vst v63  }
0xb4: {  	_ =	swait.ge [sflag:s8], $0x1400  }
0xb5: {  	[sflag:s8] =	ssyncset.done $0x0  }
0xb6: {  	s9 =	sadd.s32 $0x16168, s5;
	[sflag:s8] =	ssyncadd.s32 $0xFFFFEC00  }
0xb7: {  	[spmem:s3] =	stream.indirect.scatter.add.f32 [tilespmem:s26], [sflag:$0xA], $0x80, s9, s19, $0xb8;
	[tilespmem:$0x1FF80] =	vst v63  }
0xb8: {  	_ =	swait.ge [sflag:s10], $0x1400  }
0xb9: {  	[sflag:s10] =	ssyncset.done $0x0  }
0xba: {  	s9 =	sadd.s32 $0x13AB0, s5;
	[sflag:s10] =	ssyncadd.s32 $0xFFFFEC00  }
0xbb: {  	[tilespmem:s24], [sflag:$0x3] =	stream.indirect.gather [hbm4b:s1+s19], $0x80, s9, s19, $0xb8;
	[tilespmem:$0x1FF80] =	vst v63  }
0xbc: {  	_ =	swait.ge [sflag:s11], $0x1400  }
0xbd: {  	[sflag:s11] =	ssyncset.done $0x0  }
.Ltmp0:
0xbe: {  	s9 =	sadd.s32 $0x16190, s5;
	[sflag:s11] =	ssyncadd.s32 $0xFFFFEC00;
	(pc) =	sbr.rel @p1 .LBB2_2-.Ltmp0, $4  }
0xbf: {  	[spmem:s3] =	stream.indirect.scatter.add.f32 [tilespmem:s29], [sflag:$0xB], $0x80, s9, s19, $0xb8;
	[tilespmem:$0x1FF80] =	vst v63  }
0xc0: {  	_ =	swait.ge [sflag:s21], $0x1400  }
0xc1: {  	[sflag:s21] =	ssyncset.done $0x0  }
0xc2: {  	s5 =	sadd.s32 $0x13AD8, s5;
	[sflag:s21] =	ssyncadd.s32 $0xFFFFEC00  }
0xc3: {  	[tilespmem:s26], [sflag:$0x4] =	stream.indirect.gather [hbm4b:s1+s19], $0x80, s5, s19, $0xb8;
	[tilespmem:$0x1FF80] =	vst v63  }
0xc4: {  	_ =	swait.ge [sflag:s13], $0x1400  }
0xc5: {  	[sflag:s13] =	ssyncset.done $0x0  }
0xc6: {  	s2 =	simm.s32 $0x18648;
	[sflag:s13] =	ssyncadd.s32 $0xFFFFEC00  }
0xc7: {  	[spmem:s3] =	stream.indirect.scatter.add.f32 [tilespmem:s31], [sflag:$0xC], $0x80, s2, s19, $0xb8;
	[tilespmem:$0x1FF80] =	vst v63  }
0xc8: {  	_ =	swait.ge [sflag:s23], $0x1400  }
0xc9: {  	[sflag:s23] =	ssyncset.done $0x0  }
0xca: {  	[sflag:s23] =	ssyncadd.s32 $0xFFFFEC00  }
0xcb: {  	[tilespmem:s29], [sflag:$0x5] =	stream.indirect.gather [hbm4b:s1+s19], $0x80, s16, s19, $0xb8;
	[tilespmem:$0x1FF80] =	vst v63  }
0xcc: {  	_ =	swait.ge [sflag:s18], $0x1400  }
0xcd: {  	[sflag:s18] =	ssyncset.done $0x0  }
0xce: {  	s9 =	simm.s32 $0x18670;
	[sflag:s18] =	ssyncadd.s32 $0xFFFFEC00  }
0xcf: {  	[spmem:s3] =	stream.indirect.scatter.add.f32 [tilespmem:s20], [sflag:$0x7], $0x80, s9, s19, $0xb8;
	[tilespmem:$0x1FF80] =	vst v63  }
0xd0: {  	_ =	swait.ge [sflag:s25], $0x1400  }
0xd1: {  	[sflag:s25] =	ssyncset.done $0x0  }
0xd2: {  	s5 =	simm.s32 $0x16028;
	[sflag:s25] =	ssyncadd.s32 $0xFFFFEC00  }
0xd3: {  	[tilespmem:s31], [sflag:$0x6] =	stream.indirect.gather [hbm4b:s1+s19], $0x80, s5, s19, $0xb8;
	[tilespmem:$0x1FF80] =	vst v63  }
0xd4: {  	_ =	swait.ge [sflag:s0], $0x1400  }
0xd5: {  	[sflag:s0] =	ssyncset.done $0x0  }
0xd6: {  	s9 =	simm.s32 $0x18698;
	[sflag:s0] =	ssyncadd.s32 $0xFFFFEC00  }
0xd7: {  	[spmem:s3] =	stream.indirect.scatter.add.f32 [tilespmem:s22], [sflag:$0x8], $0x80, s9, s19, $0xb8;
	[tilespmem:$0x1FF80] =	vst v63  }
0xd8: {  	_ =	swait.ge [sflag:s30], $0x1400  }
0xd9: {  	[sflag:s30] =	ssyncset.done $0x0  }
0xda: {  	s5 =	simm.s32 $0x16050;
	[sflag:s30] =	ssyncadd.s32 $0xFFFFEC00  }
0xdb: {  	[tilespmem:s20], [sflag:$0x1] =	stream.indirect.gather [hbm4b:s1+s19], $0x80, s5, s19, $0xb8;
	[tilespmem:$0x1FF80] =	vst v63  }
0xdc: {  	_ =	swait.ge [sflag:s4], $0x1400  }
0xdd: {  	[sflag:s4] =	ssyncset.done $0x0  }
0xde: {  	s9 =	simm.s32 $0x186C0;
	[sflag:s4] =	ssyncadd.s32 $0xFFFFEC00  }
0xdf: {  	[spmem:s3] =	stream.indirect.scatter.add.f32 [tilespmem:s24], [sflag:$0x9], $0x80, s9, s19, $0xb8;
	[tilespmem:$0x1FF80] =	vst v63  }
0xe0: {  	_ =	swait.ge [sflag:s7], $0x1400  }
0xe1: {  	[sflag:s7] =	ssyncset.done $0x0  }
0xe2: {  	s5 =	simm.s32 $0x16078;
	[sflag:s7] =	ssyncadd.s32 $0xFFFFEC00  }
0xe3: {  	[tilespmem:s22], [sflag:$0x2] =	stream.indirect.gather [hbm4b:s1+s19], $0x80, s5, s19, $0xb8;
	[tilespmem:$0x1FF80] =	vst v63  }
0xe4: {  	_ =	swait.ge [sflag:s8], $0x1400  }
0xe5: {  	[sflag:s8] =	ssyncset.done $0x0  }
0xe6: {  	s9 =	simm.s32 $0x186E8;
	[sflag:s8] =	ssyncadd.s32 $0xFFFFEC00  }
0xe7: {  	[spmem:s3] =	stream.indirect.scatter.add.f32 [tilespmem:s26], [sflag:$0xA], $0x80, s9, s19, $0xb8;
	[tilespmem:$0x1FF80] =	vst v63  }
0xe8: {  	_ =	swait.ge [sflag:s10], $0x1400  }
0xe9: {  	[sflag:s10] =	ssyncset.done $0x0  }
0xea: {  	[sflag:s10] =	ssyncadd.s32 $0xFFFFEC00  }
0xeb: {  	[tilespmem:s24], [sflag:$0x3] =	stream.indirect.gather [hbm4b:s1+s19], $0x80, s12, s19, $0xb8;
	[tilespmem:$0x1FF80] =	vst v63  }
0xec: {  	_ =	swait.ge [sflag:s11], $0x1400  }
0xed: {  	[sflag:s11] =	ssyncset.done $0x0  }
0xee: {  	[sflag:s11] =	ssyncadd.s32 $0xFFFFEC00  }
0xef: {  	[spmem:s3] =	stream.indirect.scatter.add.f32 [tilespmem:s29], [sflag:$0xB], $0x80, s15, s19, $0xb8;
	[tilespmem:$0x1FF80] =	vst v63  }
0xf0: {  	_ =	swait.ge [sflag:s21], $0x1400  }
0xf1: {  	[sflag:s21] =	ssyncset.done $0x0  }
0xf2: {  	s5 =	simm.s32 $0x160C8;
	[sflag:s21] =	ssyncadd.s32 $0xFFFFEC00  }
0xf3: {  	[tilespmem:s26], [sflag:$0x4] =	stream.indirect.gather [hbm4b:s1+s19], $0x80, s5, s19, $0xb8;
	[tilespmem:$0x1FF80] =	vst v63  }
0xf4: {  	_ =	swait.ge [sflag:s13], $0x1400  }
0xf5: {  	[sflag:s13] =	ssyncset.done $0x0  }
0xf6: {  	s9 =	simm.s32 $0x138A8;
	[sflag:s13] =	ssyncadd.s32 $0xFFFFEC00  }
0xf7: {  	[spmem:s3] =	stream.indirect.scatter.add.f32 [tilespmem:s31], [sflag:$0xC], $0x80, s9, s19, $0xb8;
	[tilespmem:$0x1FF80] =	vst v63  }
0xf8: {  	_ =	swait.ge [sflag:s23], $0x1400  }
0xf9: {  	[sflag:s23] =	ssyncset.done $0x0  }
0xfa: {  	s5 =	simm.s32 $0x160F0;
	[sflag:s23] =	ssyncadd.s32 $0xFFFFEC00  }
0xfb: {  	[tilespmem:s29], [sflag:$0x5] =	stream.indirect.gather [hbm4b:s1+s19], $0x80, s5, s19, $0xb8;
	[tilespmem:$0x1FF80] =	vst v63  }
0xfc: {  	_ =	swait.ge [sflag:s18], $0x1400  }
0xfd: {  	[sflag:s18] =	ssyncset.done $0x0  }
0xfe: {  	s9 =	simm.s32 $0x138D0;
	[sflag:s18] =	ssyncadd.s32 $0xFFFFEC00  }
0xff: {  	[spmem:s3] =	stream.indirect.scatter.add.f32 [tilespmem:s20], [sflag:$0x7], $0x80, s9, s19, $0xb8;
	[tilespmem:$0x1FF80] =	vst v63  }
0x100: {  	_ =	swait.ge [sflag:s25], $0x1400  }
0x101: {  	[sflag:s25] =	ssyncset.done $0x0  }
0x102: {  	s5 =	simm.s32 $0x16118;
	[sflag:s25] =	ssyncadd.s32 $0xFFFFEC00  }
0x103: {  	[tilespmem:s31], [sflag:$0x6] =	stream.indirect.gather [hbm4b:s1+s19], $0x80, s5, s19, $0xb8;
	[tilespmem:$0x1FF80] =	vst v63  }
0x104: {  	_ =	swait.ge [sflag:s0], $0x1400  }
0x105: {  	[sflag:s0] =	ssyncset.done $0x0  }
0x106: {  	s9 =	simm.s32 $0x138F8;
	[sflag:s0] =	ssyncadd.s32 $0xFFFFEC00  }
0x107: {  	[spmem:s3] =	stream.indirect.scatter.add.f32 [tilespmem:s22], [sflag:$0x8], $0x80, s9, s19, $0xb8;
	[tilespmem:$0x1FF80] =	vst v63  }
0x108: {  	_ =	swait.ge [sflag:s30], $0x1400  }
0x109: {  	[sflag:s30] =	ssyncset.done $0x0  }
0x10a: {  	s5 =	simm.s32 $0x16140;
	[sflag:s30] =	ssyncadd.s32 $0xFFFFEC00  }
0x10b: {  	[tilespmem:s20], [sflag:$0x1] =	stream.indirect.gather [hbm4b:s1+s19], $0x80, s5, s19, $0xb8;
	[tilespmem:$0x1FF80] =	vst v63  }
0x10c: {  	_ =	swait.ge [sflag:s4], $0x1400  }
0x10d: {  	[sflag:s4] =	ssyncset.done $0x0  }
0x10e: {  	s9 =	simm.s32 $0x13920;
	[sflag:s4] =	ssyncadd.s32 $0xFFFFEC00  }
0x10f: {  	[spmem:s3] =	stream.indirect.scatter.add.f32 [tilespmem:s24], [sflag:$0x9], $0x80, s9, s19, $0xb8;
	[tilespmem:$0x1FF80] =	vst v63  }
0x110: {  	_ =	swait.ge [sflag:s7], $0x1400  }
0x111: {  	[sflag:s7] =	ssyncset.done $0x0  }
0x112: {  	s5 =	simm.s32 $0x16168;
	[sflag:s7] =	ssyncadd.s32 $0xFFFFEC00  }
0x113: {  	[tilespmem:s22], [sflag:$0x2] =	stream.indirect.gather [hbm4b:s1+s19], $0x80, s5, s19, $0xb8;
	[tilespmem:$0x1FF80] =	vst v63  }
0x114: {  	_ =	swait.ge [sflag:s8], $0x1400  }
0x115: {  	[sflag:s8] =	ssyncset.done $0x0  }
0x116: {  	s9 =	simm.s32 $0x13948;
	[sflag:s8] =	ssyncadd.s32 $0xFFFFEC00  }
0x117: {  	[spmem:s3] =	stream.indirect.scatter.add.f32 [tilespmem:s26], [sflag:$0xA], $0x80, s9, s19, $0xb8;
	[tilespmem:$0x1FF80] =	vst v63  }
0x118: {  	_ =	swait.ge [sflag:s10], $0x1400  }
0x119: {  	[sflag:s10] =	ssyncset.done $0x0  }
0x11a: {  	s5 =	simm.s32 $0x16190;
	[sflag:s10] =	ssyncadd.s32 $0xFFFFEC00  }
0x11b: {  	[tilespmem:s24], [sflag:$0x3] =	stream.indirect.gather [hbm4b:s1+s19], $0x80, s5, s19, $0xb8;
	[tilespmem:$0x1FF80] =	vst v63  }
0x11c: {  	_ =	swait.ge [sflag:s11], $0x1400  }
0x11d: {  	[sflag:s11] =	ssyncset.done $0x0  }
0x11e: {  	s9 =	simm.s32 $0x13970;
	[sflag:s11] =	ssyncadd.s32 $0xFFFFEC00  }
0x11f: {  	[spmem:s3] =	stream.indirect.scatter.add.f32 [tilespmem:s29], [sflag:$0xB], $0x80, s9, s19, $0xb8;
	[tilespmem:$0x1FF80] =	vst v63  }
0x120: {  	_ =	swait.ge [sflag:s21], $0x1400  }
0x121: {  	[sflag:s21] =	ssyncset.done $0x0  }
0x122: {  	s5 =	simm.s32 $0x161B8;
	[sflag:s21] =	ssyncadd.s32 $0xFFFFEC00  }
0x123: {  	[tilespmem:s26], [sflag:$0x4] =	stream.indirect.gather [hbm4b:s1+s19], $0x80, s5, s19, $0xb8;
	[tilespmem:$0x1FF80] =	vst v63  }
0x124: {  	_ =	swait.ge [sflag:s13], $0x1400  }
0x125: {  	[sflag:s13] =	ssyncset.done $0x0  }
0x126: {  	s9 =	simm.s32 $0x13998;
	[sflag:s13] =	ssyncadd.s32 $0xFFFFEC00  }
0x127: {  	[spmem:s3] =	stream.indirect.scatter.add.f32 [tilespmem:s31], [sflag:$0xC], $0x80, s9, s19, $0xb8;
	[tilespmem:$0x1FF80] =	vst v63  }
0x128: {  	_ =	swait.ge [sflag:s23], $0x1400  }
0x129: {  	[sflag:s23] =	ssyncset.done $0x0  }
0x12a: {  	s5 =	simm.s32 $0x161E0;
	[sflag:s23] =	ssyncadd.s32 $0xFFFFEC00  }
0x12b: {  	[tilespmem:s29], [sflag:$0x5] =	stream.indirect.gather [hbm4b:s1+s19], $0x80, s5, s19, $0xb8;
	[tilespmem:$0x1FF80] =	vst v63  }
0x12c: {  	_ =	swait.ge [sflag:s18], $0x1400  }
0x12d: {  	[sflag:s18] =	ssyncset.done $0x0  }
0x12e: {  	s9 =	simm.s32 $0x139C0;
	[sflag:s18] =	ssyncadd.s32 $0xFFFFEC00  }
0x12f: {  	[spmem:s3] =	stream.indirect.scatter.add.f32 [tilespmem:s20], [sflag:$0x7], $0x80, s9, s19, $0xb8;
	[tilespmem:$0x1FF80] =	vst v63  }
0x130: {  	_ =	swait.ge [sflag:s25], $0x1400  }
0x131: {  	[sflag:s25] =	ssyncset.done $0x0  }
0x132: {  	s5 =	simm.s32 $0x16208;
	[sflag:s25] =	ssyncadd.s32 $0xFFFFEC00  }
0x133: {  	[tilespmem:s31], [sflag:$0x6] =	stream.indirect.gather [hbm4b:s1+s19], $0x80, s5, s19, $0xb8;
	[tilespmem:$0x1FF80] =	vst v63  }
0x134: {  	_ =	swait.ge [sflag:s0], $0x1400  }
0x135: {  	[sflag:s0] =	ssyncset.done $0x0  }
0x136: {  	s9 =	simm.s32 $0x139E8;
	[sflag:s0] =	ssyncadd.s32 $0xFFFFEC00  }
0x137: {  	[spmem:s3] =	stream.indirect.scatter.add.f32 [tilespmem:s22], [sflag:$0x8], $0x80, s9, s19, $0xb8;
	[tilespmem:$0x1FF80] =	vst v63  }
0x138: {  	_ =	swait.ge [sflag:s30], $0x1400  }
0x139: {  	[sflag:s30] =	ssyncset.done $0x0  }
0x13a: {  	s5 =	simm.s32 $0x16230;
	[sflag:s30] =	ssyncadd.s32 $0xFFFFEC00  }
0x13b: {  	[tilespmem:s20], [sflag:$0x1] =	stream.indirect.gather [hbm4b:s1+s19], $0x80, s5, s19, $0xb8;
	[tilespmem:$0x1FF80] =	vst v63  }
0x13c: {  	_ =	swait.ge [sflag:s4], $0x1400  }
0x13d: {  	[sflag:s4] =	ssyncset.done $0x0  }
0x13e: {  	s9 =	simm.s32 $0x13A10;
	[sflag:s4] =	ssyncadd.s32 $0xFFFFEC00  }
0x13f: {  	[spmem:s3] =	stream.indirect.scatter.add.f32 [tilespmem:s24], [sflag:$0x9], $0x80, s9, s19, $0xb8;
	[tilespmem:$0x1FF80] =	vst v63  }
0x140: {  	_ =	swait.ge [sflag:s7], $0x1400  }
0x141: {  	[sflag:s7] =	ssyncset.done $0x0  }
0x142: {  	s2 =	simm.s32 $0x3C0;
	s5 =	simm.s32 $0x16258;
	[sflag:s7] =	ssyncadd.s32 $0xFFFFEC00  }
.LBB2_4:
0x143: {  	[tilespmem:s22], [sflag:$0x2] =	stream.indirect.gather [hbm4b:s1+s19], $0x80, s5, s19, $0xb8;
	[tilespmem:$0x1FF80] =	vst v63  }
0x144: {  	s5 =	smov.u32 s2  }
0x145: {  	p1 =	sne.s32 s2, $0x9240;
	s2 =	sadd.s32 $0x3C0, s2;
	_ =	swait.ge [sflag:s8], $0x1400  }
0x146: {  	s5 =	sshra.s32 s5, $0x2;
	[sflag:s8] =	ssyncset.done $0x0  }
0x147: {  	s9 =	sadd.s32 $0x13948, s5;
	[sflag:s8] =	ssyncadd.s32 $0xFFFFEC00  }
0x148: {  	[spmem:s3] =	stream.indirect.scatter.add.f32 [tilespmem:s26], [sflag:$0xA], $0x80, s9, s19, $0xb8;
	[tilespmem:$0x1FF80] =	vst v63  }
0x149: {  	_ =	swait.ge [sflag:s10], $0x1400  }
0x14a: {  	[sflag:s10] =	ssyncset.done $0x0  }
0x14b: {  	s9 =	sadd.s32 $0x16190, s5;
	[sflag:s10] =	ssyncadd.s32 $0xFFFFEC00  }
0x14c: {  	[tilespmem:s24], [sflag:$0x3] =	stream.indirect.gather [hbm4b:s1+s19], $0x80, s9, s19, $0xb8;
	[tilespmem:$0x1FF80] =	vst v63  }
0x14d: {  	_ =	swait.ge [sflag:s11], $0x1400  }
0x14e: {  	[sflag:s11] =	ssyncset.done $0x0  }
0x14f: {  	s9 =	sadd.s32 $0x13970, s5;
	[sflag:s11] =	ssyncadd.s32 $0xFFFFEC00  }
0x150: {  	[spmem:s3] =	stream.indirect.scatter.add.f32 [tilespmem:s29], [sflag:$0xB], $0x80, s9, s19, $0xb8;
	[tilespmem:$0x1FF80] =	vst v63  }
0x151: {  	_ =	swait.ge [sflag:s21], $0x1400  }
0x152: {  	[sflag:s21] =	ssyncset.done $0x0  }
0x153: {  	s9 =	sadd.s32 $0x161B8, s5;
	[sflag:s21] =	ssyncadd.s32 $0xFFFFEC00  }
0x154: {  	[tilespmem:s26], [sflag:$0x4] =	stream.indirect.gather [hbm4b:s1+s19], $0x80, s9, s19, $0xb8;
	[tilespmem:$0x1FF80] =	vst v63  }
0x155: {  	_ =	swait.ge [sflag:s13], $0x1400  }
0x156: {  	[sflag:s13] =	ssyncset.done $0x0  }
0x157: {  	s9 =	sadd.s32 $0x13998, s5;
	[sflag:s13] =	ssyncadd.s32 $0xFFFFEC00  }
0x158: {  	[spmem:s3] =	stream.indirect.scatter.add.f32 [tilespmem:s31], [sflag:$0xC], $0x80, s9, s19, $0xb8;
	[tilespmem:$0x1FF80] =	vst v63  }
0x159: {  	_ =	swait.ge [sflag:s23], $0x1400  }
0x15a: {  	[sflag:s23] =	ssyncset.done $0x0  }
0x15b: {  	s9 =	sadd.s32 $0x161E0, s5;
	[sflag:s23] =	ssyncadd.s32 $0xFFFFEC00  }
0x15c: {  	[tilespmem:s29], [sflag:$0x5] =	stream.indirect.gather [hbm4b:s1+s19], $0x80, s9, s19, $0xb8;
	[tilespmem:$0x1FF80] =	vst v63  }
0x15d: {  	_ =	swait.ge [sflag:s18], $0x1400  }
0x15e: {  	[sflag:s18] =	ssyncset.done $0x0  }
0x15f: {  	s9 =	sadd.s32 $0x139C0, s5;
	[sflag:s18] =	ssyncadd.s32 $0xFFFFEC00  }
0x160: {  	[spmem:s3] =	stream.indirect.scatter.add.f32 [tilespmem:s20], [sflag:$0x7], $0x80, s9, s19, $0xb8;
	[tilespmem:$0x1FF80] =	vst v63  }
0x161: {  	_ =	swait.ge [sflag:s25], $0x1400  }
0x162: {  	[sflag:s25] =	ssyncset.done $0x0  }
0x163: {  	s9 =	sadd.s32 $0x16208, s5;
	[sflag:s25] =	ssyncadd.s32 $0xFFFFEC00  }
0x164: {  	[tilespmem:s31], [sflag:$0x6] =	stream.indirect.gather [hbm4b:s1+s19], $0x80, s9, s19, $0xb8;
	[tilespmem:$0x1FF80] =	vst v63  }
0x165: {  	_ =	swait.ge [sflag:s0], $0x1400  }
0x166: {  	[sflag:s0] =	ssyncset.done $0x0  }
0x167: {  	s9 =	sadd.s32 $0x139E8, s5;
	[sflag:s0] =	ssyncadd.s32 $0xFFFFEC00  }
0x168: {  	[spmem:s3] =	stream.indirect.scatter.add.f32 [tilespmem:s22], [sflag:$0x8], $0x80, s9, s19, $0xb8;
	[tilespmem:$0x1FF80] =	vst v63  }
0x169: {  	_ =	swait.ge [sflag:s30], $0x1400  }
0x16a: {  	[sflag:s30] =	ssyncset.done $0x0  }
0x16b: {  	s9 =	sadd.s32 $0x16230, s5;
	[sflag:s30] =	ssyncadd.s32 $0xFFFFEC00  }
0x16c: {  	[tilespmem:s20], [sflag:$0x1] =	stream.indirect.gather [hbm4b:s1+s19], $0x80, s9, s19, $0xb8;
	[tilespmem:$0x1FF80] =	vst v63  }
0x16d: {  	_ =	swait.ge [sflag:s4], $0x1400  }
0x16e: {  	[sflag:s4] =	ssyncset.done $0x0  }
.Ltmp1:
0x16f: {  	s9 =	sadd.s32 $0x13A10, s5;
	[sflag:s4] =	ssyncadd.s32 $0xFFFFEC00;
	(pc) =	sbr.rel @p1 .LBB2_4-.Ltmp1, $4  }
0x170: {  	[spmem:s3] =	stream.indirect.scatter.add.f32 [tilespmem:s24], [sflag:$0x9], $0x80, s9, s19, $0xb8;
	[tilespmem:$0x1FF80] =	vst v63  }
0x171: {  	_ =	swait.ge [sflag:s7], $0x1400  }
0x172: {  	[sflag:s7] =	ssyncset.done $0x0  }
0x173: {  	s5 =	sadd.s32 $0x16258, s5;
	[sflag:s7] =	ssyncadd.s32 $0xFFFFEC00  }
0x174: {  	[tilespmem:s22], [sflag:$0x2] =	stream.indirect.gather [hbm4b:s1+s19], $0x80, s5, s19, $0xb8;
	[tilespmem:$0x1FF80] =	vst v63  }
0x175: {  	_ =	swait.ge [sflag:s8], $0x1400  }
0x176: {  	[sflag:s8] =	ssyncset.done $0x0  }
0x177: {  	s2 =	simm.s32 $0x15EC8;
	[sflag:s8] =	ssyncadd.s32 $0xFFFFEC00  }
0x178: {  	[spmem:s3] =	stream.indirect.scatter.add.f32 [tilespmem:s26], [sflag:$0xA], $0x80, s2, s19, $0xb8;
	[tilespmem:$0x1FF80] =	vst v63  }
0x179: {  	_ =	swait.ge [sflag:s11], $0x1400  }
0x17a: {  	[sflag:s11] =	ssyncset.done $0x0  }
0x17b: {  	s5 =	simm.s32 $0x15EF0;
	[sflag:s11] =	ssyncadd.s32 $0xFFFFEC00  }
0x17c: {  	[spmem:s3] =	stream.indirect.scatter.add.f32 [tilespmem:s29], [sflag:$0xB], $0x80, s5, s19, $0xb8;
	[tilespmem:$0x1FF80] =	vst v63  }
0x17d: {  	_ =	swait.ge [sflag:s13], $0x1400  }
0x17e: {  	[sflag:s13] =	ssyncset.done $0x0  }
0x17f: {  	s9 =	simm.s32 $0x15F18;
	[sflag:s13] =	ssyncadd.s32 $0xFFFFEC00  }
0x180: {  	[spmem:s3] =	stream.indirect.scatter.add.f32 [tilespmem:s31], [sflag:$0xC], $0x80, s9, s19, $0xb8;
	[tilespmem:$0x1FF80] =	vst v63  }
0x181: {  	_ =	swait.ge [sflag:s18], $0x1400  }
0x182: {  	[sflag:s18] =	ssyncset.done $0x0  }
0x183: {  	s5 =	simm.s32 $0x15F40;
	[sflag:s18] =	ssyncadd.s32 $0xFFFFEC00  }
0x184: {  	[spmem:s3] =	stream.indirect.scatter.add.f32 [tilespmem:s20], [sflag:$0x7], $0x80, s5, s19, $0xb8;
	[tilespmem:$0x1FF80] =	vst v63  }
0x185: {  	_ =	swait.ge [sflag:s0], $0x1400  }
0x186: {  	[sflag:s0] =	ssyncset.done $0x0  }
0x187: {  	s9 =	simm.s32 $0x15F68;
	[sflag:s0] =	ssyncadd.s32 $0xFFFFEC00  }
0x188: {  	[spmem:s3] =	stream.indirect.scatter.add.f32 [tilespmem:s22], [sflag:$0x8], $0x80, s9, s19, $0xb8;
	[tilespmem:$0x1FF80] =	vst v63  }
0x189: {  	_ =	swait.ge [sflag:s10], $0x1400  }
0x18a: {  	[sflag:s10] =	ssyncset.done $0x0  }
0x18b: {  	[sflag:s10] =	ssyncadd.s32 $0xFFFFEC00  }
0x18c: {  	_ =	swait.ge [sflag:s21], $0x1400  }
0x18d: {  	[sflag:s21] =	ssyncset.done $0x0  }
0x18e: {  	[sflag:s21] =	ssyncadd.s32 $0xFFFFEC00  }
0x18f: {  	_ =	swait.ge [sflag:s23], $0x1400  }
0x190: {  	[sflag:s23] =	ssyncset.done $0x0  }
0x191: {  	[sflag:s23] =	ssyncadd.s32 $0xFFFFEC00  }
0x192: {  	_ =	swait.ge [sflag:s25], $0x1400  }
0x193: {  	[sflag:s25] =	ssyncset.done $0x0  }
0x194: {  	[sflag:s25] =	ssyncadd.s32 $0xFFFFEC00  }
0x195: {  	_ =	swait.ge [sflag:s30], $0x1400  }
0x196: {  	[sflag:s30] =	ssyncset.done $0x0  }
0x197: {  	[sflag:s30] =	ssyncadd.s32 $0xFFFFEC00  }
0x198: {  	_ =	swait.ge [sflag:s7], $0x1400  }
0x199: {  	[sflag:s7] =	ssyncset.done $0x0  }
0x19a: {  	[sflag:s7] =	ssyncadd.s32 $0xFFFFEC00  }
0x19b: {  	[bflag:$0x0] =	sbarrier.arrive $0xFFFF  }
0x19c: {  	s5 =	rddreg [dreg:$0x7]  }
0x19d: {  	s9 =	rddreg [dreg:$0xc];
	s2 =	sor.u32 $0x1C0D, s5  }
0x19e: {  	[hbm:s9], [sflag:s2] =	dma.local [spmem:s14], $0x2700  }
0x19f: {  	_ =	swait.ge [sflag:s28], $0x2700  }
0x1a0: {  	[sflag:s28] =	ssyncset.done $0x0  }
0x1a1: {  	s5 =	rddreg [dreg:$0xd];
	[sflag:s28] =	ssyncadd.s32 $0xFFFFD900  }
0x1a2: {  	[hbm:s5], [sflag:s2] =	dma.local @!p0 [spmem:s17], $0x100  }
0x1a3: {  	s2 =	simm.s32 @!p0 $0xD  }
0x1a4: {  	_ =	swait.ge @!p0 [sflag:s2], $0x100  }
0x1a5: {  	s6 =	sadd.s32 $0x1, s6;
	s9 =	rddreg [dreg:$0xe]  }
0x1a6: {  	p1 =	sne.s32 s6, s9  }
.Ltmp2:
0x1a7: {  	_ = 	snop;
	(pc) =	sbr.rel @p1 .LBB2_1-.Ltmp2, $3  }
0x1a8: {  	_ =	sdelay $0x1  }
0x1a9: {  	[sflag:s2] =	ssyncset.done @!p0 $0x0  }
0x1aa: {  	[sflag:s2] =	ssyncadd.s32 @!p0 $0xFFFFFF00  }
0x1ab: {  	_ =	sfence.sel $0x180000  }
0x1ac: {  	[bflag:$0x0] =	sbarrier.arrive $0xFFFF  }
0x1ad: {  	_ =	strace $0x90000047  }
0x1ae: {  	s0 =	stileid.u32;
	[bflag:$0x2] =	sbarrier.arrive $0xFFFF  }
0x1af: {  	p0 =	sne.s32 s0, $0x0;
	s0 =	rddreg [dreg:$0x5]  }
0x1b0: {  	s0 =	sadd.s32 @!p0 $0x100000, s0  }
0x1b1: {  	[sflag:s0] =	ssyncadd.tile.s32 @!p0 $0x1;
	_ =	shalt  }
.Lfunc_end2:
_tile_overlayer_lowered:
.L_overlay_start_2:
0x1b2: {  	(tag) =	ssettag $0x2  }
0x1b3: {  	s0 =	rddreg [dreg:$0x0];
	s2 =	stileid.u32  }
0x1b4: {  	s1 =	rddreg [dreg:$0x1];
	p0 =	sne.s32 s2, $0x0  }
0x1b5: {  	s3 =	rddreg [dreg:$0x2];
	[bflag:$0x3] =	sbarrier.arrive $0xFFFF;
	s2 =	simm.s32 @!p0 $0x1C0D  }
0x1b6: {  	[timem:s3], [sflag:s2] =	dma.local @!p0 [hbm:s0], s1  }
0x1b7: {  	s0 =	simm.s32 @!p0 $0xD  }
0x1b8: {  	_ =	swait.ge @!p0 [sflag:s0], s1  }
0x1b9: {  	s1 =	ssub.s32 @!p0 $0x0, s1;
	[sflag:s0] =	ssyncset.done @!p0 $0x0  }
0x1ba: {  	[sflag:s0] =	ssyncadd.s32 @!p0 s1  }
0x1bb: {  	[bflag:$0x3] =	sbarrier.arrive $0xFFFF  }
0x1bc: {  	_ =	shalt  }

</sc_bundles>
